<compile_context>
chip_gen: v7x
topology: tpu7x:2x2x1
jax: 0.10.2.dev20260603
libtpu: 0.0.44.dev20260713+nightly
codegen_flags: <defaults>
</compile_context>

<pallas_src>
import functools
import jax
import jax.numpy as jnp
from jax import lax
from jax.experimental import pallas as pl
from jax.experimental.pallas import tpu as pltpu
from jax.experimental.pallas import tpu_sc as plsc

_BS = 16384
_NCLS = 1000
_KDROP = 2
_BLOCK = 2048
_NBLK = _BS // _BLOCK

_NEG_INF = float("-inf")

_NC = 2
_NS = 16
_NW = _NC * _NS
_CHUNK = _BS // _NW
_NVEC = _CHUNK // 16


def _losses_body(t_ref, x_ref, out_ref):
    x = x_ref[...]
    t = t_ref[0, 0, :]

    m = jnp.max(x, axis=1, keepdims=True)
    s = jnp.sum(jnp.exp(x - m), axis=1, keepdims=True)
    lse = m + jnp.log(s)
    cid = lax.broadcasted_iota(jnp.int32, (_BLOCK, _NCLS), 1)
    tv = jnp.sum(jnp.where(cid == t[:, None], x, 0.0), axis=1, keepdims=True)
    out_ref[...] = (lse - tv).reshape(1, 1, _BLOCK)


def _lane_xor_shuffle(v, lane, k):
    idx = jnp.bitwise_xor(lane, k)
    return v.at[idx].get(mode="promise_in_bounds")


def _tree_all_lanes(v, lane, op):
    for k in (8, 4, 2, 1):
        v = op(v, _lane_xor_shuffle(v, lane, k))
    return v


def _lane_xor_shuffle(v, lane, k):
    idx = jnp.bitwise_xor(lane, k)
    return v.at[idx].get(mode="promise_in_bounds")


def _tree_all_lanes(v, lane, op):
    for k in (8, 4, 2, 1):
        v = op(v, _lane_xor_shuffle(v, lane, k))
    return v


def _sc_merge_body(losses_hbm, out_hbm, buf, pub, loc, res, shared):
    cid = lax.axis_index("c")
    sid = lax.axis_index("s")
    wid = sid * _NC + cid
    blk = wid // (_BLOCK // _CHUNK)
    off = (wid % (_BLOCK // _CHUNK)) * _CHUNK
    pltpu.sync_copy(losses_hbm.at[blk, 0, pl.ds(off, _CHUNK)], buf)

    sum_v = buf[pl.ds(0, 16)]
    m1_v = sum_v
    m2_v = jnp.full((16,), _NEG_INF, dtype=jnp.float32)
    for j in range(1, _NVEC):
        v = buf[pl.ds(j * 16, 16)]
        sum_v = sum_v + v
        m2_v = jnp.maximum(m2_v, jnp.minimum(m1_v, v))
        m1_v = jnp.maximum(m1_v, v)

    pub[pl.ds(0, 16)] = sum_v
    pub[pl.ds(16, 16)] = m1_v
    pub[pl.ds(32, 16)] = m2_v
    pltpu.sync_copy(pub, shared.at[pl.ds(sid * 48, 48)])
    plsc.subcore_barrier()

    @pl.when(sid == 0)
    def _merge():
        pltpu.sync_copy(shared, loc)
        sum_acc = loc[pl.ds(0, 16)]
        am1 = loc[pl.ds(16, 16)]
        am2 = loc[pl.ds(32, 16)]
        for j in range(1, _NS):
            b = j * 48
            sum_acc = sum_acc + loc[pl.ds(b, 16)]
            v1 = loc[pl.ds(b + 16, 16)]
            v2 = loc[pl.ds(b + 32, 16)]
            am2 = jnp.maximum(am2, jnp.minimum(am1, v1))
            am1 = jnp.maximum(am1, v1)
            am2 = jnp.maximum(am2, jnp.minimum(am1, v2))
            am1 = jnp.maximum(am1, v2)
        lane = lax.iota(jnp.int32, 16)
        total = _tree_all_lanes(sum_acc, lane, jnp.add)
        big1 = _tree_all_lanes(am1, lane, jnp.maximum)
        first = _tree_all_lanes(
            jnp.where(am1 == big1, lane, 16), lane, jnp.minimum)
        sec = _tree_all_lanes(
            jnp.where(lane == first, _NEG_INF, am1), lane, jnp.maximum)
        big2 = jnp.maximum(_tree_all_lanes(am2, lane, jnp.maximum), sec)
        res[pl.ds(0, 16)] = total
        res[pl.ds(16, 16)] = big1
        res[pl.ds(32, 16)] = big2
        pltpu.sync_copy(res, out_hbm.at[cid])


@jax.jit
def _ousm(logits, target):
    t3 = target.astype(jnp.int32).reshape(_NBLK, 1, _BLOCK)
    losses = pl.pallas_call(
        _losses_body,
        grid=(_NBLK,),
        in_specs=[
            pl.BlockSpec((1, 1, _BLOCK), lambda i: (i, 0, 0)),
            pl.BlockSpec((_BLOCK, _NCLS), lambda i: (i, 0)),
        ],
        out_specs=pl.BlockSpec((1, 1, _BLOCK), lambda i: (i, 0, 0)),
        out_shape=jax.ShapeDtypeStruct((_NBLK, 1, _BLOCK), jnp.float32),
    )(t3, logits)
    mesh = plsc.VectorSubcoreMesh(core_axis_name="c", subcore_axis_name="s")
    sc_merge = functools.partial(
        pl.kernel,
        mesh=mesh,
        out_type=jax.ShapeDtypeStruct((_NC, 48), jnp.float32),
        scratch_types=[
            pltpu.VMEM((_CHUNK,), jnp.float32),
            pltpu.VMEM((48,), jnp.float32),
            pltpu.VMEM((_NS * 48,), jnp.float32),
            pltpu.VMEM((48,), jnp.float32),
            pltpu.VMEM_SHARED((_NS * 48,), jnp.float32),
        ],
    )(_sc_merge_body)
    o = sc_merge(losses)
    total = o[0, 0] + o[1, 0]
    c1a, c1b = o[0, 16], o[1, 16]
    c2a, c2b = o[0, 32], o[1, 32]
    big1 = jnp.maximum(c1a, c1b)
    big2 = jnp.maximum(jnp.minimum(c1a, c1b), jnp.maximum(c2a, c2b))
    return (total - big1 - big2) / (_BS - _KDROP)


def kernel(input, target):
    return _ousm(input, target)

# --- scband reference (transcript-rebuilt; emitter-appended) ---
"""Pipeline reference for scband-ousmloss-59820304498777 (READ-ONLY COPY).

The authoritative reference and input builder live on the scoring server;
editing this copy changes nothing except your own understanding.
"""

import jax, jax.numpy as jnp
import numpy as np

K = 2

def setup_inputs(seed: int = 0) -> dict:
    key = jax.random.key(seed)
    k1, k2 = jax.random.split(key)
    logits = jax.random.normal(k1, (16384, 1000), dtype=jnp.float32)
    target = jax.random.randint(k2, (16384,), 0, 1000, dtype=jnp.int64 if jax.config.jax_enable_x64 else jnp.int32)
    return {"input": logits, "target": target}

def reference(input, target):
    logits = input
    bs = logits.shape[0]
    num_classes = logits.shape[1]
    # soft_cross_entropy_loss with integer targets -> one-hot
    onehot = jax.nn.one_hot(target, num_classes, dtype=logits.dtype)
    losses = -jnp.sum(onehot * jax.nn.log_softmax(logits, axis=1), axis=1)
    # OUSM: keep the (bs - k) smallest per-sample losses (drop k largest outliers)
    keep = bs - K
    neg_top, idxs = jax.lax.top_k(-losses, keep)
    kept = jnp.take(losses, idxs, axis=0)
    loss = jnp.mean(kept)
    # reduction='mean' in forward (mean of a scalar is itself)
    return jnp.mean(loss)

if __name__ == "__main__":
    import jax
    _d = setup_inputs()
    print(jax.jit(kernel)(*tuple(_d.values())))

</pallas_src>

<mosaic_0001>
#map = affine_map<(d0, d1) -> (0, 0, 0)>
#map1 = affine_map<(d0, d1) -> (0, 0)>
module attributes {stable_mosaic.version = 14 : i64} {
  func.func @_sc_merge_body(%arg0: i32, %arg1: i32, %arg2: memref<8x1x2048xf32, #tpu.memory_space<hbm>>, %arg3: memref<2x48xf32, #tpu.memory_space<hbm>>, %arg4: memref<512xf32, #tpu.memory_space<vmem>>, %arg5: memref<48xf32, #tpu.memory_space<vmem>>, %arg6: memref<768xf32, #tpu.memory_space<vmem>>, %arg7: memref<48xf32, #tpu.memory_space<vmem>>, %arg8: memref<768xf32, #tpu.memory_space<vmem_shared>>) attributes {dimension_semantics = [#tpu.dimension_semantics<core_parallel>, #tpu.dimension_semantics<subcore_parallel>], iteration_bounds = array<i64: 2, 16>, scalar_prefetch = 0 : i64, scratch_operands = 5 : i64, tpu.core_type = #tpu.core_type<sc_vector_subcore>, window_params = [{transform_indices = #map}, {transform_indices = #map1}]} {
    %mul3A = arith.constant 2 : i32
    %mul3A_0 = arith.muli %arg1, %mul3A : i32
    %add3A = arith.addi %mul3A_0, %arg0 : i32
    %jit3A = arith.constant 4 : i32
    %div3A = arith.divsi %add3A, %jit3A : i32
    %sign3A = arith.constant 0 : i32
    %sign3A_1 = arith.cmpi sgt, %add3A, %sign3A : i32
    %sign3A_2 = arith.extui %sign3A_1 : i1 to i32
    %sign3A_3 = arith.constant 0 : i32
    %sign3A_4 = arith.cmpi slt, %add3A, %sign3A_3 : i32
    %sign3A_5 = arith.extui %sign3A_4 : i1 to i32
    %sign3A_6 = arith.subi %sign3A_2, %sign3A_5 : i32
    %sign3A_7 = arith.constant 0 : i32
    %sign3A_8 = arith.cmpi sgt, %jit3A, %sign3A_7 : i32
    %sign3A_9 = arith.extui %sign3A_8 : i1 to i32
    %sign3A_10 = arith.constant 0 : i32
    %sign3A_11 = arith.cmpi slt, %jit3A, %sign3A_10 : i32
    %sign3A_12 = arith.extui %sign3A_11 : i1 to i32
    %sign3A_13 = arith.subi %sign3A_9, %sign3A_12 : i32
    %ne3A = arith.cmpi ne, %sign3A_6, %sign3A_13 : i32
    %rem3A = arith.remsi %add3A, %jit3A : i32
    %ne3A_14 = arith.constant 0 : i32
    %ne3A_15 = arith.cmpi ne, %rem3A, %ne3A_14 : i32
    %and3A = arith.andi %ne3A, %ne3A_15 : i1
    %sub3A = arith.constant 1 : i32
    %sub3A_16 = arith.subi %div3A, %sub3A : i32
    %select_n3A = arith.select %and3A, %sub3A_16, %div3A : i32
    %jit3A_17 = arith.constant 4 : i32
    %eq3A = arith.constant 0 : i32
    %eq3A_18 = arith.cmpi eq, %jit3A_17, %eq3A : i32
    %jit3A_19 = arith.constant 1 : i32
    %select_n3A_20 = arith.select %eq3A_18, %jit3A_19, %jit3A_17 : i32
    %rem3A_21 = arith.remsi %add3A, %select_n3A_20 : i32
    %ne3A_22 = arith.constant 0 : i32
    %ne3A_23 = arith.cmpi ne, %rem3A_21, %ne3A_22 : i32
    %lt3A = arith.constant 0 : i32
    %lt3A_24 = arith.cmpi slt, %rem3A_21, %lt3A : i32
    %lt3A_25 = arith.constant 0 : i32
    %lt3A_26 = arith.cmpi slt, %select_n3A_20, %lt3A_25 : i32
    %ne3A_27 = arith.xori %lt3A_24, %lt3A_26 : i1
    %and3A_28 = arith.andi %ne3A_27, %ne3A_23 : i1
    %add3A_29 = arith.addi %rem3A_21, %select_n3A_20 : i32
    %select_n3A_30 = arith.select %and3A_28, %add3A_29, %rem3A_21 : i32
    %mul3A_31 = arith.constant 512 : i32
    %mul3A_32 = arith.muli %select_n3A_30, %mul3A_31 : i32
    %run_scoped3A = arith.constant 0 : i32
    "tpu.region"() ({
      %run_scoped3A_267 = tpu.sem_alloc : memref<!tpu.dma_semaphore, #tpu.memory_space<semaphore_mem>>
      %dma_start3A = tpu.memref_slice %arg2[%select_n3A, %run_scoped3A, %mul3A_32] : memref<8x1x2048xf32, #tpu.memory_space<hbm>> -> memref<1x1x512xf32, #tpu.memory_space<hbm>>
      %dma_start3A_268 = tpu.memref_squeeze %dma_start3A : memref<1x1x512xf32, #tpu.memory_space<hbm>> -> memref<512xf32, #tpu.memory_space<hbm>>
      %dma_start3A_269 = tpu.memref_slice %arg2[%select_n3A, %run_scoped3A, %mul3A_32] : memref<8x1x2048xf32, #tpu.memory_space<hbm>> -> memref<1x1x512xf32, #tpu.memory_space<hbm>>
      %dma_start3A_270 = tpu.memref_squeeze %dma_start3A_269 : memref<1x1x512xf32, #tpu.memory_space<hbm>> -> memref<512xf32, #tpu.memory_space<hbm>>
      tpu.enqueue_dma source(%dma_start3A_270 : memref<512xf32, #tpu.memory_space<hbm>>) target(%arg4 : memref<512xf32, #tpu.memory_space<vmem>>) target_semaphore(%run_scoped3A_267 : memref<!tpu.dma_semaphore, #tpu.memory_space<semaphore_mem>>)
      %dma_wait3A = tpu.memref_slice %arg2[%select_n3A, %run_scoped3A, %mul3A_32] : memref<8x1x2048xf32, #tpu.memory_space<hbm>> -> memref<1x1x512xf32, #tpu.memory_space<hbm>>
      %dma_wait3A_271 = tpu.memref_squeeze %dma_wait3A : memref<1x1x512xf32, #tpu.memory_space<hbm>> -> memref<512xf32, #tpu.memory_space<hbm>>
      %dma_wait3A_272 = tpu.memref_slice %arg2[%select_n3A, %run_scoped3A, %mul3A_32] : memref<8x1x2048xf32, #tpu.memory_space<hbm>> -> memref<1x1x512xf32, #tpu.memory_space<hbm>>
      %dma_wait3A_273 = tpu.memref_squeeze %dma_wait3A_272 : memref<1x1x512xf32, #tpu.memory_space<hbm>> -> memref<512xf32, #tpu.memory_space<hbm>>
      tpu.wait_dma2 semaphore(%run_scoped3A_267 : memref<!tpu.dma_semaphore, #tpu.memory_space<semaphore_mem>>) src(%dma_wait3A_273 : memref<512xf32, #tpu.memory_space<hbm>>) dst(%arg4 : memref<512xf32, #tpu.memory_space<vmem>>)
      tpu.yield
    }) : () -> ()
    %get3A = arith.constant 0 : index
    %get3A_33 = tpu.vector_load %arg4[%get3A] {strides = array<i32>} : memref<512xf32, #tpu.memory_space<vmem>>, vector<16xf32>,
    %get3A_34 = vector.shape_cast %get3A_33 : vector<16xf32> to vector<16xf32>
    %broadcast_in_dim3A = arith.constant 0xFF800000 : f32
    %broadcast_in_dim3A_35 = vector.broadcast %broadcast_in_dim3A : f32 to vector<16xf32>
    %get3A_36 = arith.constant 16 : index
    %get3A_37 = tpu.vector_load %arg4[%get3A_36] {strides = array<i32>} : memref<512xf32, #tpu.memory_space<vmem>>, vector<16xf32>,
    %get3A_38 = vector.shape_cast %get3A_37 : vector<16xf32> to vector<16xf32>
    %add3A_39 = arith.addf %get3A_34, %get3A_38 : vector<16xf32>
    %min3A = arith.minimumf %get3A_34, %get3A_38 : vector<16xf32>
    %max3A = arith.maximumf %broadcast_in_dim3A_35, %min3A : vector<16xf32>
    %max3A_40 = arith.maximumf %get3A_34, %get3A_38 : vector<16xf32>
    %get3A_41 = arith.constant 32 : index
    %get3A_42 = tpu.vector_load %arg4[%get3A_41] {strides = array<i32>} : memref<512xf32, #tpu.memory_space<vmem>>, vector<16xf32>,
    %get3A_43 = vector.shape_cast %get3A_42 : vector<16xf32> to vector<16xf32>
    %add3A_44 = arith.addf %add3A_39, %get3A_43 : vector<16xf32>
    %min3A_45 = arith.minimumf %max3A_40, %get3A_43 : vector<16xf32>
    %max3A_46 = arith.maximumf %max3A, %min3A_45 : vector<16xf32>
    %max3A_47 = arith.maximumf %max3A_40, %get3A_43 : vector<16xf32>
    %get3A_48 = arith.constant 48 : index
    %get3A_49 = tpu.vector_load %arg4[%get3A_48] {strides = array<i32>} : memref<512xf32, #tpu.memory_space<vmem>>, vector<16xf32>,
    %get3A_50 = vector.shape_cast %get3A_49 : vector<16xf32> to vector<16xf32>
    %add3A_51 = arith.addf %add3A_44, %get3A_50 : vector<16xf32>
    %min3A_52 = arith.minimumf %max3A_47, %get3A_50 : vector<16xf32>
    %max3A_53 = arith.maximumf %max3A_46, %min3A_52 : vector<16xf32>
    %max3A_54 = arith.maximumf %max3A_47, %get3A_50 : vector<16xf32>
    %get3A_55 = arith.constant 64 : index
    %get3A_56 = tpu.vector_load %arg4[%get3A_55] {strides = array<i32>} : memref<512xf32, #tpu.memory_space<vmem>>, vector<16xf32>,
    %get3A_57 = vector.shape_cast %get3A_56 : vector<16xf32> to vector<16xf32>
    %add3A_58 = arith.addf %add3A_51, %get3A_57 : vector<16xf32>
    %min3A_59 = arith.minimumf %max3A_54, %get3A_57 : vector<16xf32>
    %max3A_60 = arith.maximumf %max3A_53, %min3A_59 : vector<16xf32>
    %max3A_61 = arith.maximumf %max3A_54, %get3A_57 : vector<16xf32>
    %get3A_62 = arith.constant 80 : index
    %get3A_63 = tpu.vector_load %arg4[%get3A_62] {strides = array<i32>} : memref<512xf32, #tpu.memory_space<vmem>>, vector<16xf32>,
    %get3A_64 = vector.shape_cast %get3A_63 : vector<16xf32> to vector<16xf32>
    %add3A_65 = arith.addf %add3A_58, %get3A_64 : vector<16xf32>
    %min3A_66 = arith.minimumf %max3A_61, %get3A_64 : vector<16xf32>
    %max3A_67 = arith.maximumf %max3A_60, %min3A_66 : vector<16xf32>
    %max3A_68 = arith.maximumf %max3A_61, %get3A_64 : vector<16xf32>
    %get3A_69 = arith.constant 96 : index
    %get3A_70 = tpu.vector_load %arg4[%get3A_69] {strides = array<i32>} : memref<512xf32, #tpu.memory_space<vmem>>, vector<16xf32>,
    %get3A_71 = vector.shape_cast %get3A_70 : vector<16xf32> to vector<16xf32>
    %add3A_72 = arith.addf %add3A_65, %get3A_71 : vector<16xf32>
    %min3A_73 = arith.minimumf %max3A_68, %get3A_71 : vector<16xf32>
    %max3A_74 = arith.maximumf %max3A_67, %min3A_73 : vector<16xf32>
    %max3A_75 = arith.maximumf %max3A_68, %get3A_71 : vector<16xf32>
    %get3A_76 = arith.constant 112 : index
    %get3A_77 = tpu.vector_load %arg4[%get3A_76] {strides = array<i32>} : memref<512xf32, #tpu.memory_space<vmem>>, vector<16xf32>,
    %get3A_78 = vector.shape_cast %get3A_77 : vector<16xf32> to vector<16xf32>
    %add3A_79 = arith.addf %add3A_72, %get3A_78 : vector<16xf32>
    %min3A_80 = arith.minimumf %max3A_75, %get3A_78 : vector<16xf32>
    %max3A_81 = arith.maximumf %max3A_74, %min3A_80 : vector<16xf32>
    %max3A_82 = arith.maximumf %max3A_75, %get3A_78 : vector<16xf32>
    %get3A_83 = arith.constant 128 : index
    %get3A_84 = tpu.vector_load %arg4[%get3A_83] {strides = array<i32>} : memref<512xf32, #tpu.memory_space<vmem>>, vector<16xf32>,
    %get3A_85 = vector.shape_cast %get3A_84 : vector<16xf32> to vector<16xf32>
    %add3A_86 = arith.addf %add3A_79, %get3A_85 : vector<16xf32>
    %min3A_87 = arith.minimumf %max3A_82, %get3A_85 : vector<16xf32>
    %max3A_88 = arith.maximumf %max3A_81, %min3A_87 : vector<16xf32>
    %max3A_89 = arith.maximumf %max3A_82, %get3A_85 : vector<16xf32>
    %get3A_90 = arith.constant 144 : index
    %get3A_91 = tpu.vector_load %arg4[%get3A_90] {strides = array<i32>} : memref<512xf32, #tpu.memory_space<vmem>>, vector<16xf32>,
    %get3A_92 = vector.shape_cast %get3A_91 : vector<16xf32> to vector<16xf32>
    %add3A_93 = arith.addf %add3A_86, %get3A_92 : vector<16xf32>
    %min3A_94 = arith.minimumf %max3A_89, %get3A_92 : vector<16xf32>
    %max3A_95 = arith.maximumf %max3A_88, %min3A_94 : vector<16xf32>
    %max3A_96 = arith.maximumf %max3A_89, %get3A_92 : vector<16xf32>
    %get3A_97 = arith.constant 160 : index
    %get3A_98 = tpu.vector_load %arg4[%get3A_97] {strides = array<i32>} : memref<512xf32, #tpu.memory_space<vmem>>, vector<16xf32>,
    %get3A_99 = vector.shape_cast %get3A_98 : vector<16xf32> to vector<16xf32>
    %add3A_100 = arith.addf %add3A_93, %get3A_99 : vector<16xf32>
    %min3A_101 = arith.minimumf %max3A_96, %get3A_99 : vector<16xf32>
    %max3A_102 = arith.maximumf %max3A_95, %min3A_101 : vector<16xf32>
    %max3A_103 = arith.maximumf %max3A_96, %get3A_99 : vector<16xf32>
    %get3A_104 = arith.constant 176 : index
    %get3A_105 = tpu.vector_load %arg4[%get3A_104] {strides = array<i32>} : memref<512xf32, #tpu.memory_space<vmem>>, vector<16xf32>,
    %get3A_106 = vector.shape_cast %get3A_105 : vector<16xf32> to vector<16xf32>
    %add3A_107 = arith.addf %add3A_100, %get3A_106 : vector<16xf32>
    %min3A_108 = arith.minimumf %max3A_103, %get3A_106 : vector<16xf32>
    %max3A_109 = arith.maximumf %max3A_102, %min3A_108 : vector<16xf32>
    %max3A_110 = arith.maximumf %max3A_103, %get3A_106 : vector<16xf32>
    %get3A_111 = arith.constant 192 : index
    %get3A_112 = tpu.vector_load %arg4[%get3A_111] {strides = array<i32>} : memref<512xf32, #tpu.memory_space<vmem>>, vector<16xf32>,
    %get3A_113 = vector.shape_cast %get3A_112 : vector<16xf32> to vector<16xf32>
    %add3A_114 = arith.addf %add3A_107, %get3A_113 : vector<16xf32>
    %min3A_115 = arith.minimumf %max3A_110, %get3A_113 : vector<16xf32>
    %max3A_116 = arith.maximumf %max3A_109, %min3A_115 : vector<16xf32>
    %max3A_117 = arith.maximumf %max3A_110, %get3A_113 : vector<16xf32>
    %get3A_118 = arith.constant 208 : index
    %get3A_119 = tpu.vector_load %arg4[%get3A_118] {strides = array<i32>} : memref<512xf32, #tpu.memory_space<vmem>>, vector<16xf32>,
    %get3A_120 = vector.shape_cast %get3A_119 : vector<16xf32> to vector<16xf32>
    %add3A_121 = arith.addf %add3A_114, %get3A_120 : vector<16xf32>
    %min3A_122 = arith.minimumf %max3A_117, %get3A_120 : vector<16xf32>
    %max3A_123 = arith.maximumf %max3A_116, %min3A_122 : vector<16xf32>
    %max3A_124 = arith.maximumf %max3A_117, %get3A_120 : vector<16xf32>
    %get3A_125 = arith.constant 224 : index
    %get3A_126 = tpu.vector_load %arg4[%get3A_125] {strides = array<i32>} : memref<512xf32, #tpu.memory_space<vmem>>, vector<16xf32>,
    %get3A_127 = vector.shape_cast %get3A_126 : vector<16xf32> to vector<16xf32>
    %add3A_128 = arith.addf %add3A_121, %get3A_127 : vector<16xf32>
    %min3A_129 = arith.minimumf %max3A_124, %get3A_127 : vector<16xf32>
    %max3A_130 = arith.maximumf %max3A_123, %min3A_129 : vector<16xf32>
    %max3A_131 = arith.maximumf %max3A_124, %get3A_127 : vector<16xf32>
    %get3A_132 = arith.constant 240 : index
    %get3A_133 = tpu.vector_load %arg4[%get3A_132] {strides = array<i32>} : memref<512xf32, #tpu.memory_space<vmem>>, vector<16xf32>,
    %get3A_134 = vector.shape_cast %get3A_133 : vector<16xf32> to vector<16xf32>
    %add3A_135 = arith.addf %add3A_128, %get3A_134 : vector<16xf32>
    %min3A_136 = arith.minimumf %max3A_131, %get3A_134 : vector<16xf32>
    %max3A_137 = arith.maximumf %max3A_130, %min3A_136 : vector<16xf32>
    %max3A_138 = arith.maximumf %max3A_131, %get3A_134 : vector<16xf32>
    %get3A_139 = arith.constant 256 : index
    %get3A_140 = tpu.vector_load %arg4[%get3A_139] {strides = array<i32>} : memref<512xf32, #tpu.memory_space<vmem>>, vector<16xf32>,
    %get3A_141 = vector.shape_cast %get3A_140 : vector<16xf32> to vector<16xf32>
    %add3A_142 = arith.addf %add3A_135, %get3A_141 : vector<16xf32>
    %min3A_143 = arith.minimumf %max3A_138, %get3A_141 : vector<16xf32>
    %max3A_144 = arith.maximumf %max3A_137, %min3A_143 : vector<16xf32>
    %max3A_145 = arith.maximumf %max3A_138, %get3A_141 : vector<16xf32>
    %get3A_146 = arith.constant 272 : index
    %get3A_147 = tpu.vector_load %arg4[%get3A_146] {strides = array<i32>} : memref<512xf32, #tpu.memory_space<vmem>>, vector<16xf32>,
    %get3A_148 = vector.shape_cast %get3A_147 : vector<16xf32> to vector<16xf32>
    %add3A_149 = arith.addf %add3A_142, %get3A_148 : vector<16xf32>
    %min3A_150 = arith.minimumf %max3A_145, %get3A_148 : vector<16xf32>
    %max3A_151 = arith.maximumf %max3A_144, %min3A_150 : vector<16xf32>
    %max3A_152 = arith.maximumf %max3A_145, %get3A_148 : vector<16xf32>
    %get3A_153 = arith.constant 288 : index
    %get3A_154 = tpu.vector_load %arg4[%get3A_153] {strides = array<i32>} : memref<512xf32, #tpu.memory_space<vmem>>, vector<16xf32>,
    %get3A_155 = vector.shape_cast %get3A_154 : vector<16xf32> to vector<16xf32>
    %add3A_156 = arith.addf %add3A_149, %get3A_155 : vector<16xf32>
    %min3A_157 = arith.minimumf %max3A_152, %get3A_155 : vector<16xf32>
    %max3A_158 = arith.maximumf %max3A_151, %min3A_157 : vector<16xf32>
    %max3A_159 = arith.maximumf %max3A_152, %get3A_155 : vector<16xf32>
    %get3A_160 = arith.constant 304 : index
    %get3A_161 = tpu.vector_load %arg4[%get3A_160] {strides = array<i32>} : memref<512xf32, #tpu.memory_space<vmem>>, vector<16xf32>,
    %get3A_162 = vector.shape_cast %get3A_161 : vector<16xf32> to vector<16xf32>
    %add3A_163 = arith.addf %add3A_156, %get3A_162 : vector<16xf32>
    %min3A_164 = arith.minimumf %max3A_159, %get3A_162 : vector<16xf32>
    %max3A_165 = arith.maximumf %max3A_158, %min3A_164 : vector<16xf32>
    %max3A_166 = arith.maximumf %max3A_159, %get3A_162 : vector<16xf32>
    %get3A_167 = arith.constant 320 : index
    %get3A_168 = tpu.vector_load %arg4[%get3A_167] {strides = array<i32>} : memref<512xf32, #tpu.memory_space<vmem>>, vector<16xf32>,
    %get3A_169 = vector.shape_cast %get3A_168 : vector<16xf32> to vector<16xf32>
    %add3A_170 = arith.addf %add3A_163, %get3A_169 : vector<16xf32>
    %min3A_171 = arith.minimumf %max3A_166, %get3A_169 : vector<16xf32>
    %max3A_172 = arith.maximumf %max3A_165, %min3A_171 : vector<16xf32>
    %max3A_173 = arith.maximumf %max3A_166, %get3A_169 : vector<16xf32>
    %get3A_174 = arith.constant 336 : index
    %get3A_175 = tpu.vector_load %arg4[%get3A_174] {strides = array<i32>} : memref<512xf32, #tpu.memory_space<vmem>>, vector<16xf32>,
    %get3A_176 = vector.shape_cast %get3A_175 : vector<16xf32> to vector<16xf32>
    %add3A_177 = arith.addf %add3A_170, %get3A_176 : vector<16xf32>
    %min3A_178 = arith.minimumf %max3A_173, %get3A_176 : vector<16xf32>
    %max3A_179 = arith.maximumf %max3A_172, %min3A_178 : vector<16xf32>
    %max3A_180 = arith.maximumf %max3A_173, %get3A_176 : vector<16xf32>
    %get3A_181 = arith.constant 352 : index
    %get3A_182 = tpu.vector_load %arg4[%get3A_181] {strides = array<i32>} : memref<512xf32, #tpu.memory_space<vmem>>, vector<16xf32>,
    %get3A_183 = vector.shape_cast %get3A_182 : vector<16xf32> to vector<16xf32>
    %add3A_184 = arith.addf %add3A_177, %get3A_183 : vector<16xf32>
    %min3A_185 = arith.minimumf %max3A_180, %get3A_183 : vector<16xf32>
    %max3A_186 = arith.maximumf %max3A_179, %min3A_185 : vector<16xf32>
    %max3A_187 = arith.maximumf %max3A_180, %get3A_183 : vector<16xf32>
    %get3A_188 = arith.constant 368 : index
    %get3A_189 = tpu.vector_load %arg4[%get3A_188] {strides = array<i32>} : memref<512xf32, #tpu.memory_space<vmem>>, vector<16xf32>,
    %get3A_190 = vector.shape_cast %get3A_189 : vector<16xf32> to vector<16xf32>
    %add3A_191 = arith.addf %add3A_184, %get3A_190 : vector<16xf32>
    %min3A_192 = arith.minimumf %max3A_187, %get3A_190 : vector<16xf32>
    %max3A_193 = arith.maximumf %max3A_186, %min3A_192 : vector<16xf32>
    %max3A_194 = arith.maximumf %max3A_187, %get3A_190 : vector<16xf32>
    %get3A_195 = arith.constant 384 : index
    %get3A_196 = tpu.vector_load %arg4[%get3A_195] {strides = array<i32>} : memref<512xf32, #tpu.memory_space<vmem>>, vector<16xf32>,
    %get3A_197 = vector.shape_cast %get3A_196 : vector<16xf32> to vector<16xf32>
    %add3A_198 = arith.addf %add3A_191, %get3A_197 : vector<16xf32>
    %min3A_199 = arith.minimumf %max3A_194, %get3A_197 : vector<16xf32>
    %max3A_200 = arith.maximumf %max3A_193, %min3A_199 : vector<16xf32>
    %max3A_201 = arith.maximumf %max3A_194, %get3A_197 : vector<16xf32>
    %get3A_202 = arith.constant 400 : index
    %get3A_203 = tpu.vector_load %arg4[%get3A_202] {strides = array<i32>} : memref<512xf32, #tpu.memory_space<vmem>>, vector<16xf32>,
    %get3A_204 = vector.shape_cast %get3A_203 : vector<16xf32> to vector<16xf32>
    %add3A_205 = arith.addf %add3A_198, %get3A_204 : vector<16xf32>
    %min3A_206 = arith.minimumf %max3A_201, %get3A_204 : vector<16xf32>
    %max3A_207 = arith.maximumf %max3A_200, %min3A_206 : vector<16xf32>
    %max3A_208 = arith.maximumf %max3A_201, %get3A_204 : vector<16xf32>
    %get3A_209 = arith.constant 416 : index
    %get3A_210 = tpu.vector_load %arg4[%get3A_209] {strides = array<i32>} : memref<512xf32, #tpu.memory_space<vmem>>, vector<16xf32>,
    %get3A_211 = vector.shape_cast %get3A_210 : vector<16xf32> to vector<16xf32>
    %add3A_212 = arith.addf %add3A_205, %get3A_211 : vector<16xf32>
    %min3A_213 = arith.minimumf %max3A_208, %get3A_211 : vector<16xf32>
    %max3A_214 = arith.maximumf %max3A_207, %min3A_213 : vector<16xf32>
    %max3A_215 = arith.maximumf %max3A_208, %get3A_211 : vector<16xf32>
    %get3A_216 = arith.constant 432 : index
    %get3A_217 = tpu.vector_load %arg4[%get3A_216] {strides = array<i32>} : memref<512xf32, #tpu.memory_space<vmem>>, vector<16xf32>,
    %get3A_218 = vector.shape_cast %get3A_217 : vector<16xf32> to vector<16xf32>
    %add3A_219 = arith.addf %add3A_212, %get3A_218 : vector<16xf32>
    %min3A_220 = arith.minimumf %max3A_215, %get3A_218 : vector<16xf32>
    %max3A_221 = arith.maximumf %max3A_214, %min3A_220 : vector<16xf32>
    %max3A_222 = arith.maximumf %max3A_215, %get3A_218 : vector<16xf32>
    %get3A_223 = arith.constant 448 : index
    %get3A_224 = tpu.vector_load %arg4[%get3A_223] {strides = array<i32>} : memref<512xf32, #tpu.memory_space<vmem>>, vector<16xf32>,
    %get3A_225 = vector.shape_cast %get3A_224 : vector<16xf32> to vector<16xf32>
    %add3A_226 = arith.addf %add3A_219, %get3A_225 : vector<16xf32>
    %min3A_227 = arith.minimumf %max3A_222, %get3A_225 : vector<16xf32>
    %max3A_228 = arith.maximumf %max3A_221, %min3A_227 : vector<16xf32>
    %max3A_229 = arith.maximumf %max3A_222, %get3A_225 : vector<16xf32>
    %get3A_230 = arith.constant 464 : index
    %get3A_231 = tpu.vector_load %arg4[%get3A_230] {strides = array<i32>} : memref<512xf32, #tpu.memory_space<vmem>>, vector<16xf32>,
    %get3A_232 = vector.shape_cast %get3A_231 : vector<16xf32> to vector<16xf32>
    %add3A_233 = arith.addf %add3A_226, %get3A_232 : vector<16xf32>
    %min3A_234 = arith.minimumf %max3A_229, %get3A_232 : vector<16xf32>
    %max3A_235 = arith.maximumf %max3A_228, %min3A_234 : vector<16xf32>
    %max3A_236 = arith.maximumf %max3A_229, %get3A_232 : vector<16xf32>
    %get3A_237 = arith.constant 480 : index
    %get3A_238 = tpu.vector_load %arg4[%get3A_237] {strides = array<i32>} : memref<512xf32, #tpu.memory_space<vmem>>, vector<16xf32>,
    %get3A_239 = vector.shape_cast %get3A_238 : vector<16xf32> to vector<16xf32>
    %add3A_240 = arith.addf %add3A_233, %get3A_239 : vector<16xf32>
    %min3A_241 = arith.minimumf %max3A_236, %get3A_239 : vector<16xf32>
    %max3A_242 = arith.maximumf %max3A_235, %min3A_241 : vector<16xf32>
    %max3A_243 = arith.maximumf %max3A_236, %get3A_239 : vector<16xf32>
    %get3A_244 = arith.constant 496 : index
    %get3A_245 = tpu.vector_load %arg4[%get3A_244] {strides = array<i32>} : memref<512xf32, #tpu.memory_space<vmem>>, vector<16xf32>,
    %get3A_246 = vector.shape_cast %get3A_245 : vector<16xf32> to vector<16xf32>
    %add3A_247 = arith.addf %add3A_240, %get3A_246 : vector<16xf32>
    %min3A_248 = arith.minimumf %max3A_243, %get3A_246 : vector<16xf32>
    %max3A_249 = arith.maximumf %max3A_242, %min3A_248 : vector<16xf32>
    %max3A_250 = arith.maximumf %max3A_243, %get3A_246 : vector<16xf32>
    %swap3A = arith.constant 0 : index
    %swap3A_251 = tpu.vector_load %arg5[%swap3A] {strides = array<i32>} : memref<48xf32, #tpu.memory_space<vmem>>, vector<16xf32>,
    %swap3A_252 = vector.shape_cast %swap3A_251 : vector<16xf32> to vector<16xf32>
    %swap3A_253 = vector.shape_cast %add3A_247 : vector<16xf32> to vector<16xf32>
    tpu.vector_store %arg5[%swap3A], %swap3A_253 {strides = array<i32>} : memref<48xf32, #tpu.memory_space<vmem>>, vector<16xf32>,
    %swap3A_254 = arith.constant 16 : index
    %swap3A_255 = tpu.vector_load %arg5[%swap3A_254] {strides = array<i32>} : memref<48xf32, #tpu.memory_space<vmem>>, vector<16xf32>,
    %swap3A_256 = vector.shape_cast %swap3A_255 : vector<16xf32> to vector<16xf32>
    %swap3A_257 = vector.shape_cast %max3A_250 : vector<16xf32> to vector<16xf32>
    tpu.vector_store %arg5[%swap3A_254], %swap3A_257 {strides = array<i32>} : memref<48xf32, #tpu.memory_space<vmem>>, vector<16xf32>,
    %swap3A_258 = arith.constant 32 : index
    %swap3A_259 = tpu.vector_load %arg5[%swap3A_258] {strides = array<i32>} : memref<48xf32, #tpu.memory_space<vmem>>, vector<16xf32>,
    %swap3A_260 = vector.shape_cast %swap3A_259 : vector<16xf32> to vector<16xf32>
    %swap3A_261 = vector.shape_cast %max3A_249 : vector<16xf32> to vector<16xf32>
    tpu.vector_store %arg5[%swap3A_258], %swap3A_261 {strides = array<i32>} : memref<48xf32, #tpu.memory_space<vmem>>, vector<16xf32>,
    %mul3A_262 = arith.constant 48 : i32
    %mul3A_263 = arith.muli %arg1, %mul3A_262 : i32
    "tpu.region"() ({
      %run_scoped3A_267 = tpu.sem_alloc : memref<!tpu.dma_semaphore, #tpu.memory_space<semaphore_mem>>
      %dma_start3A = tpu.memref_slice %arg8[%mul3A_263] : memref<768xf32, #tpu.memory_space<vmem_shared>> -> memref<48xf32, #tpu.memory_space<vmem_shared>>
      %dma_start3A_268 = tpu.memref_slice %arg8[%mul3A_263] : memref<768xf32, #tpu.memory_space<vmem_shared>> -> memref<48xf32, #tpu.memory_space<vmem_shared>>
      tpu.enqueue_dma source(%arg5 : memref<48xf32, #tpu.memory_space<vmem>>) target(%dma_start3A_268 : memref<48xf32, #tpu.memory_space<vmem_shared>>) target_semaphore(%run_scoped3A_267 : memref<!tpu.dma_semaphore, #tpu.memory_space<semaphore_mem>>)
      %dma_wait3A = tpu.memref_slice %arg8[%mul3A_263] : memref<768xf32, #tpu.memory_space<vmem_shared>> -> memref<48xf32, #tpu.memory_space<vmem_shared>>
      %dma_wait3A_269 = tpu.memref_slice %arg8[%mul3A_263] : memref<768xf32, #tpu.memory_space<vmem_shared>> -> memref<48xf32, #tpu.memory_space<vmem_shared>>
      tpu.wait_dma2 semaphore(%run_scoped3A_267 : memref<!tpu.dma_semaphore, #tpu.memory_space<semaphore_mem>>) src(%arg5 : memref<48xf32, #tpu.memory_space<vmem>>) dst(%dma_wait3A_269 : memref<48xf32, #tpu.memory_space<vmem_shared>>)
      tpu.yield
    }) : () -> ()
    %barrier3A = arith.constant 0 : index
    tpu.barrier barrier_id(%barrier3A)
    %eq3A_264 = arith.constant 0 : i32
    %eq3A_265 = arith.cmpi eq, %arg1, %eq3A_264 : i32
    %convert_element_type3A = arith.extui %eq3A_265 : i1 to i32
    %cond3A = arith.constant 0 : i32
    %cond3A_266 = arith.cmpi ne, %convert_element_type3A, %cond3A : i32
    scf.if %cond3A_266 {
      "tpu.region"() ({
        %run_scoped3A_815 = tpu.sem_alloc : memref<!tpu.dma_semaphore, #tpu.memory_space<semaphore_mem>>
        tpu.enqueue_dma source(%arg8 : memref<768xf32, #tpu.memory_space<vmem_shared>>) target(%arg6 : memref<768xf32, #tpu.memory_space<vmem>>) target_semaphore(%run_scoped3A_815 : memref<!tpu.dma_semaphore, #tpu.memory_space<semaphore_mem>>)
        tpu.wait_dma2 semaphore(%run_scoped3A_815 : memref<!tpu.dma_semaphore, #tpu.memory_space<semaphore_mem>>) src(%arg8 : memref<768xf32, #tpu.memory_space<vmem_shared>>) dst(%arg6 : memref<768xf32, #tpu.memory_space<vmem>>)
        tpu.yield
      }) : () -> ()
      %get3A_267 = arith.constant 0 : index
      %get3A_268 = tpu.vector_load %arg6[%get3A_267] {strides = array<i32>} : memref<768xf32, #tpu.memory_space<vmem>>, vector<16xf32>,
      %get3A_269 = vector.shape_cast %get3A_268 : vector<16xf32> to vector<16xf32>
      %get3A_270 = arith.constant 16 : index
      %get3A_271 = tpu.vector_load %arg6[%get3A_270] {strides = array<i32>} : memref<768xf32, #tpu.memory_space<vmem>>, vector<16xf32>,
      %get3A_272 = vector.shape_cast %get3A_271 : vector<16xf32> to vector<16xf32>
      %get3A_273 = arith.constant 32 : index
      %get3A_274 = tpu.vector_load %arg6[%get3A_273] {strides = array<i32>} : memref<768xf32, #tpu.memory_space<vmem>>, vector<16xf32>,
      %get3A_275 = vector.shape_cast %get3A_274 : vector<16xf32> to vector<16xf32>
      %get3A_276 = arith.constant 48 : index
      %get3A_277 = tpu.vector_load %arg6[%get3A_276] {strides = array<i32>} : memref<768xf32, #tpu.memory_space<vmem>>, vector<16xf32>,
      %get3A_278 = vector.shape_cast %get3A_277 : vector<16xf32> to vector<16xf32>
      %add3A_279 = arith.addf %get3A_269, %get3A_278 : vector<16xf32>
      %get3A_280 = arith.constant 64 : index
      %get3A_281 = tpu.vector_load %arg6[%get3A_280] {strides = array<i32>} : memref<768xf32, #tpu.memory_space<vmem>>, vector<16xf32>,
      %get3A_282 = vector.shape_cast %get3A_281 : vector<16xf32> to vector<16xf32>
      %get3A_283 = arith.constant 80 : index
      %get3A_284 = tpu.vector_load %arg6[%get3A_283] {strides = array<i32>} : memref<768xf32, #tpu.memory_space<vmem>>, vector<16xf32>,
      %get3A_285 = vector.shape_cast %get3A_284 : vector<16xf32> to vector<16xf32>
      %min3A_286 = arith.minimumf %get3A_272, %get3A_282 : vector<16xf32>
      %max3A_287 = arith.maximumf %get3A_275, %min3A_286 : vector<16xf32>
      %max3A_288 = arith.maximumf %get3A_272, %get3A_282 : vector<16xf32>
      %min3A_289 = arith.minimumf %max3A_288, %get3A_285 : vector<16xf32>
      %max3A_290 = arith.maximumf %max3A_287, %min3A_289 : vector<16xf32>
      %max3A_291 = arith.maximumf %max3A_288, %get3A_285 : vector<16xf32>
      %get3A_292 = arith.constant 96 : index
      %get3A_293 = tpu.vector_load %arg6[%get3A_292] {strides = array<i32>} : memref<768xf32, #tpu.memory_space<vmem>>, vector<16xf32>,
      %get3A_294 = vector.shape_cast %get3A_293 : vector<16xf32> to vector<16xf32>
      %add3A_295 = arith.addf %add3A_279, %get3A_294 : vector<16xf32>
      %get3A_296 = arith.constant 112 : index
      %get3A_297 = tpu.vector_load %arg6[%get3A_296] {strides = array<i32>} : memref<768xf32, #tpu.memory_space<vmem>>, vector<16xf32>,
      %get3A_298 = vector.shape_cast %get3A_297 : vector<16xf32> to vector<16xf32>
      %get3A_299 = arith.constant 128 : index
      %get3A_300 = tpu.vector_load %arg6[%get3A_299] {strides = array<i32>} : memref<768xf32, #tpu.memory_space<vmem>>, vector<16xf32>,
      %get3A_301 = vector.shape_cast %get3A_300 : vector<16xf32> to vector<16xf32>
      %min3A_302 = arith.minimumf %max3A_291, %get3A_298 : vector<16xf32>
      %max3A_303 = arith.maximumf %max3A_290, %min3A_302 : vector<16xf32>
      %max3A_304 = arith.maximumf %max3A_291, %get3A_298 : vector<16xf32>
      %min3A_305 = arith.minimumf %max3A_304, %get3A_301 : vector<16xf32>
      %max3A_306 = arith.maximumf %max3A_303, %min3A_305 : vector<16xf32>
      %max3A_307 = arith.maximumf %max3A_304, %get3A_301 : vector<16xf32>
      %get3A_308 = arith.constant 144 : index
      %get3A_309 = tpu.vector_load %arg6[%get3A_308] {strides = array<i32>} : memref<768xf32, #tpu.memory_space<vmem>>, vector<16xf32>,
      %get3A_310 = vector.shape_cast %get3A_309 : vector<16xf32> to vector<16xf32>
      %add3A_311 = arith.addf %add3A_295, %get3A_310 : vector<16xf32>
      %get3A_312 = arith.constant 160 : index
      %get3A_313 = tpu.vector_load %arg6[%get3A_312] {strides = array<i32>} : memref<768xf32, #tpu.memory_space<vmem>>, vector<16xf32>,
      %get3A_314 = vector.shape_cast %get3A_313 : vector<16xf32> to vector<16xf32>
      %get3A_315 = arith.constant 176 : index
      %get3A_316 = tpu.vector_load %arg6[%get3A_315] {strides = array<i32>} : memref<768xf32, #tpu.memory_space<vmem>>, vector<16xf32>,
      %get3A_317 = vector.shape_cast %get3A_316 : vector<16xf32> to vector<16xf32>
      %min3A_318 = arith.minimumf %max3A_307, %get3A_314 : vector<16xf32>
      %max3A_319 = arith.maximumf %max3A_306, %min3A_318 : vector<16xf32>
      %max3A_320 = arith.maximumf %max3A_307, %get3A_314 : vector<16xf32>
      %min3A_321 = arith.minimumf %max3A_320, %get3A_317 : vector<16xf32>
      %max3A_322 = arith.maximumf %max3A_319, %min3A_321 : vector<16xf32>
      %max3A_323 = arith.maximumf %max3A_320, %get3A_317 : vector<16xf32>
      %get3A_324 = arith.constant 192 : index
      %get3A_325 = tpu.vector_load %arg6[%get3A_324] {strides = array<i32>} : memref<768xf32, #tpu.memory_space<vmem>>, vector<16xf32>,
      %get3A_326 = vector.shape_cast %get3A_325 : vector<16xf32> to vector<16xf32>
      %add3A_327 = arith.addf %add3A_311, %get3A_326 : vector<16xf32>
      %get3A_328 = arith.constant 208 : index
      %get3A_329 = tpu.vector_load %arg6[%get3A_328] {strides = array<i32>} : memref<768xf32, #tpu.memory_space<vmem>>, vector<16xf32>,
      %get3A_330 = vector.shape_cast %get3A_329 : vector<16xf32> to vector<16xf32>
      %get3A_331 = arith.constant 224 : index
      %get3A_332 = tpu.vector_load %arg6[%get3A_331] {strides = array<i32>} : memref<768xf32, #tpu.memory_space<vmem>>, vector<16xf32>,
      %get3A_333 = vector.shape_cast %get3A_332 : vector<16xf32> to vector<16xf32>
      %min3A_334 = arith.minimumf %max3A_323, %get3A_330 : vector<16xf32>
      %max3A_335 = arith.maximumf %max3A_322, %min3A_334 : vector<16xf32>
      %max3A_336 = arith.maximumf %max3A_323, %get3A_330 : vector<16xf32>
      %min3A_337 = arith.minimumf %max3A_336, %get3A_333 : vector<16xf32>
      %max3A_338 = arith.maximumf %max3A_335, %min3A_337 : vector<16xf32>
      %max3A_339 = arith.maximumf %max3A_336, %get3A_333 : vector<16xf32>
      %get3A_340 = arith.constant 240 : index
      %get3A_341 = tpu.vector_load %arg6[%get3A_340] {strides = array<i32>} : memref<768xf32, #tpu.memory_space<vmem>>, vector<16xf32>,
      %get3A_342 = vector.shape_cast %get3A_341 : vector<16xf32> to vector<16xf32>
      %add3A_343 = arith.addf %add3A_327, %get3A_342 : vector<16xf32>
      %get3A_344 = arith.constant 256 : index
      %get3A_345 = tpu.vector_load %arg6[%get3A_344] {strides = array<i32>} : memref<768xf32, #tpu.memory_space<vmem>>, vector<16xf32>,
      %get3A_346 = vector.shape_cast %get3A_345 : vector<16xf32> to vector<16xf32>
      %get3A_347 = arith.constant 272 : index
      %get3A_348 = tpu.vector_load %arg6[%get3A_347] {strides = array<i32>} : memref<768xf32, #tpu.memory_space<vmem>>, vector<16xf32>,
      %get3A_349 = vector.shape_cast %get3A_348 : vector<16xf32> to vector<16xf32>
      %min3A_350 = arith.minimumf %max3A_339, %get3A_346 : vector<16xf32>
      %max3A_351 = arith.maximumf %max3A_338, %min3A_350 : vector<16xf32>
      %max3A_352 = arith.maximumf %max3A_339, %get3A_346 : vector<16xf32>
      %min3A_353 = arith.minimumf %max3A_352, %get3A_349 : vector<16xf32>
      %max3A_354 = arith.maximumf %max3A_351, %min3A_353 : vector<16xf32>
      %max3A_355 = arith.maximumf %max3A_352, %get3A_349 : vector<16xf32>
      %get3A_356 = arith.constant 288 : index
      %get3A_357 = tpu.vector_load %arg6[%get3A_356] {strides = array<i32>} : memref<768xf32, #tpu.memory_space<vmem>>, vector<16xf32>,
      %get3A_358 = vector.shape_cast %get3A_357 : vector<16xf32> to vector<16xf32>
      %add3A_359 = arith.addf %add3A_343, %get3A_358 : vector<16xf32>
      %get3A_360 = arith.constant 304 : index
      %get3A_361 = tpu.vector_load %arg6[%get3A_360] {strides = array<i32>} : memref<768xf32, #tpu.memory_space<vmem>>, vector<16xf32>,
      %get3A_362 = vector.shape_cast %get3A_361 : vector<16xf32> to vector<16xf32>
      %get3A_363 = arith.constant 320 : index
      %get3A_364 = tpu.vector_load %arg6[%get3A_363] {strides = array<i32>} : memref<768xf32, #tpu.memory_space<vmem>>, vector<16xf32>,
      %get3A_365 = vector.shape_cast %get3A_364 : vector<16xf32> to vector<16xf32>
      %min3A_366 = arith.minimumf %max3A_355, %get3A_362 : vector<16xf32>
      %max3A_367 = arith.maximumf %max3A_354, %min3A_366 : vector<16xf32>
      %max3A_368 = arith.maximumf %max3A_355, %get3A_362 : vector<16xf32>
      %min3A_369 = arith.minimumf %max3A_368, %get3A_365 : vector<16xf32>
      %max3A_370 = arith.maximumf %max3A_367, %min3A_369 : vector<16xf32>
      %max3A_371 = arith.maximumf %max3A_368, %get3A_365 : vector<16xf32>
      %get3A_372 = arith.constant 336 : index
      %get3A_373 = tpu.vector_load %arg6[%get3A_372] {strides = array<i32>} : memref<768xf32, #tpu.memory_space<vmem>>, vector<16xf32>,
      %get3A_374 = vector.shape_cast %get3A_373 : vector<16xf32> to vector<16xf32>
      %add3A_375 = arith.addf %add3A_359, %get3A_374 : vector<16xf32>
      %get3A_376 = arith.constant 352 : index
      %get3A_377 = tpu.vector_load %arg6[%get3A_376] {strides = array<i32>} : memref<768xf32, #tpu.memory_space<vmem>>, vector<16xf32>,
      %get3A_378 = vector.shape_cast %get3A_377 : vector<16xf32> to vector<16xf32>
      %get3A_379 = arith.constant 368 : index
      %get3A_380 = tpu.vector_load %arg6[%get3A_379] {strides = array<i32>} : memref<768xf32, #tpu.memory_space<vmem>>, vector<16xf32>,
      %get3A_381 = vector.shape_cast %get3A_380 : vector<16xf32> to vector<16xf32>
      %min3A_382 = arith.minimumf %max3A_371, %get3A_378 : vector<16xf32>
      %max3A_383 = arith.maximumf %max3A_370, %min3A_382 : vector<16xf32>
      %max3A_384 = arith.maximumf %max3A_371, %get3A_378 : vector<16xf32>
      %min3A_385 = arith.minimumf %max3A_384, %get3A_381 : vector<16xf32>
      %max3A_386 = arith.maximumf %max3A_383, %min3A_385 : vector<16xf32>
      %max3A_387 = arith.maximumf %max3A_384, %get3A_381 : vector<16xf32>
      %get3A_388 = arith.constant 384 : index
      %get3A_389 = tpu.vector_load %arg6[%get3A_388] {strides = array<i32>} : memref<768xf32, #tpu.memory_space<vmem>>, vector<16xf32>,
      %get3A_390 = vector.shape_cast %get3A_389 : vector<16xf32> to vector<16xf32>
      %add3A_391 = arith.addf %add3A_375, %get3A_390 : vector<16xf32>
      %get3A_392 = arith.constant 400 : index
      %get3A_393 = tpu.vector_load %arg6[%get3A_392] {strides = array<i32>} : memref<768xf32, #tpu.memory_space<vmem>>, vector<16xf32>,
      %get3A_394 = vector.shape_cast %get3A_393 : vector<16xf32> to vector<16xf32>
      %get3A_395 = arith.constant 416 : index
      %get3A_396 = tpu.vector_load %arg6[%get3A_395] {strides = array<i32>} : memref<768xf32, #tpu.memory_space<vmem>>, vector<16xf32>,
      %get3A_397 = vector.shape_cast %get3A_396 : vector<16xf32> to vector<16xf32>
      %min3A_398 = arith.minimumf %max3A_387, %get3A_394 : vector<16xf32>
      %max3A_399 = arith.maximumf %max3A_386, %min3A_398 : vector<16xf32>
      %max3A_400 = arith.maximumf %max3A_387, %get3A_394 : vector<16xf32>
      %min3A_401 = arith.minimumf %max3A_400, %get3A_397 : vector<16xf32>
      %max3A_402 = arith.maximumf %max3A_399, %min3A_401 : vector<16xf32>
      %max3A_403 = arith.maximumf %max3A_400, %get3A_397 : vector<16xf32>
      %get3A_404 = arith.constant 432 : index
      %get3A_405 = tpu.vector_load %arg6[%get3A_404] {strides = array<i32>} : memref<768xf32, #tpu.memory_space<vmem>>, vector<16xf32>,
      %get3A_406 = vector.shape_cast %get3A_405 : vector<16xf32> to vector<16xf32>
      %add3A_407 = arith.addf %add3A_391, %get3A_406 : vector<16xf32>
      %get3A_408 = arith.constant 448 : index
      %get3A_409 = tpu.vector_load %arg6[%get3A_408] {strides = array<i32>} : memref<768xf32, #tpu.memory_space<vmem>>, vector<16xf32>,
      %get3A_410 = vector.shape_cast %get3A_409 : vector<16xf32> to vector<16xf32>
      %get3A_411 = arith.constant 464 : index
      %get3A_412 = tpu.vector_load %arg6[%get3A_411] {strides = array<i32>} : memref<768xf32, #tpu.memory_space<vmem>>, vector<16xf32>,
      %get3A_413 = vector.shape_cast %get3A_412 : vector<16xf32> to vector<16xf32>
      %min3A_414 = arith.minimumf %max3A_403, %get3A_410 : vector<16xf32>
      %max3A_415 = arith.maximumf %max3A_402, %min3A_414 : vector<16xf32>
      %max3A_416 = arith.maximumf %max3A_403, %get3A_410 : vector<16xf32>
      %min3A_417 = arith.minimumf %max3A_416, %get3A_413 : vector<16xf32>
      %max3A_418 = arith.maximumf %max3A_415, %min3A_417 : vector<16xf32>
      %max3A_419 = arith.maximumf %max3A_416, %get3A_413 : vector<16xf32>
      %get3A_420 = arith.constant 480 : index
      %get3A_421 = tpu.vector_load %arg6[%get3A_420] {strides = array<i32>} : memref<768xf32, #tpu.memory_space<vmem>>, vector<16xf32>,
      %get3A_422 = vector.shape_cast %get3A_421 : vector<16xf32> to vector<16xf32>
      %add3A_423 = arith.addf %add3A_407, %get3A_422 : vector<16xf32>
      %get3A_424 = arith.constant 496 : index
      %get3A_425 = tpu.vector_load %arg6[%get3A_424] {strides = array<i32>} : memref<768xf32, #tpu.memory_space<vmem>>, vector<16xf32>,
      %get3A_426 = vector.shape_cast %get3A_425 : vector<16xf32> to vector<16xf32>
      %get3A_427 = arith.constant 512 : index
      %get3A_428 = tpu.vector_load %arg6[%get3A_427] {strides = array<i32>} : memref<768xf32, #tpu.memory_space<vmem>>, vector<16xf32>,
      %get3A_429 = vector.shape_cast %get3A_428 : vector<16xf32> to vector<16xf32>
      %min3A_430 = arith.minimumf %max3A_419, %get3A_426 : vector<16xf32>
      %max3A_431 = arith.maximumf %max3A_418, %min3A_430 : vector<16xf32>
      %max3A_432 = arith.maximumf %max3A_419, %get3A_426 : vector<16xf32>
      %min3A_433 = arith.minimumf %max3A_432, %get3A_429 : vector<16xf32>
      %max3A_434 = arith.maximumf %max3A_431, %min3A_433 : vector<16xf32>
      %max3A_435 = arith.maximumf %max3A_432, %get3A_429 : vector<16xf32>
      %get3A_436 = arith.constant 528 : index
      %get3A_437 = tpu.vector_load %arg6[%get3A_436] {strides = array<i32>} : memref<768xf32, #tpu.memory_space<vmem>>, vector<16xf32>,
      %get3A_438 = vector.shape_cast %get3A_437 : vector<16xf32> to vector<16xf32>
      %add3A_439 = arith.addf %add3A_423, %get3A_438 : vector<16xf32>
      %get3A_440 = arith.constant 544 : index
      %get3A_441 = tpu.vector_load %arg6[%get3A_440] {strides = array<i32>} : memref<768xf32, #tpu.memory_space<vmem>>, vector<16xf32>,
      %get3A_442 = vector.shape_cast %get3A_441 : vector<16xf32> to vector<16xf32>
      %get3A_443 = arith.constant 560 : index
      %get3A_444 = tpu.vector_load %arg6[%get3A_443] {strides = array<i32>} : memref<768xf32, #tpu.memory_space<vmem>>, vector<16xf32>,
      %get3A_445 = vector.shape_cast %get3A_444 : vector<16xf32> to vector<16xf32>
      %min3A_446 = arith.minimumf %max3A_435, %get3A_442 : vector<16xf32>
      %max3A_447 = arith.maximumf %max3A_434, %min3A_446 : vector<16xf32>
      %max3A_448 = arith.maximumf %max3A_435, %get3A_442 : vector<16xf32>
      %min3A_449 = arith.minimumf %max3A_448, %get3A_445 : vector<16xf32>
      %max3A_450 = arith.maximumf %max3A_447, %min3A_449 : vector<16xf32>
      %max3A_451 = arith.maximumf %max3A_448, %get3A_445 : vector<16xf32>
      %get3A_452 = arith.constant 576 : index
      %get3A_453 = tpu.vector_load %arg6[%get3A_452] {strides = array<i32>} : memref<768xf32, #tpu.memory_space<vmem>>, vector<16xf32>,
      %get3A_454 = vector.shape_cast %get3A_453 : vector<16xf32> to vector<16xf32>
      %add3A_455 = arith.addf %add3A_439, %get3A_454 : vector<16xf32>
      %get3A_456 = arith.constant 592 : index
      %get3A_457 = tpu.vector_load %arg6[%get3A_456] {strides = array<i32>} : memref<768xf32, #tpu.memory_space<vmem>>, vector<16xf32>,
      %get3A_458 = vector.shape_cast %get3A_457 : vector<16xf32> to vector<16xf32>
      %get3A_459 = arith.constant 608 : index
      %get3A_460 = tpu.vector_load %arg6[%get3A_459] {strides = array<i32>} : memref<768xf32, #tpu.memory_space<vmem>>, vector<16xf32>,
      %get3A_461 = vector.shape_cast %get3A_460 : vector<16xf32> to vector<16xf32>
      %min3A_462 = arith.minimumf %max3A_451, %get3A_458 : vector<16xf32>
      %max3A_463 = arith.maximumf %max3A_450, %min3A_462 : vector<16xf32>
      %max3A_464 = arith.maximumf %max3A_451, %get3A_458 : vector<16xf32>
      %min3A_465 = arith.minimumf %max3A_464, %get3A_461 : vector<16xf32>
      %max3A_466 = arith.maximumf %max3A_463, %min3A_465 : vector<16xf32>
      %max3A_467 = arith.maximumf %max3A_464, %get3A_461 : vector<16xf32>
      %get3A_468 = arith.constant 624 : index
      %get3A_469 = tpu.vector_load %arg6[%get3A_468] {strides = array<i32>} : memref<768xf32, #tpu.memory_space<vmem>>, vector<16xf32>,
      %get3A_470 = vector.shape_cast %get3A_469 : vector<16xf32> to vector<16xf32>
      %add3A_471 = arith.addf %add3A_455, %get3A_470 : vector<16xf32>
      %get3A_472 = arith.constant 640 : index
      %get3A_473 = tpu.vector_load %arg6[%get3A_472] {strides = array<i32>} : memref<768xf32, #tpu.memory_space<vmem>>, vector<16xf32>,
      %get3A_474 = vector.shape_cast %get3A_473 : vector<16xf32> to vector<16xf32>
      %get3A_475 = arith.constant 656 : index
      %get3A_476 = tpu.vector_load %arg6[%get3A_475] {strides = array<i32>} : memref<768xf32, #tpu.memory_space<vmem>>, vector<16xf32>,
      %get3A_477 = vector.shape_cast %get3A_476 : vector<16xf32> to vector<16xf32>
      %min3A_478 = arith.minimumf %max3A_467, %get3A_474 : vector<16xf32>
      %max3A_479 = arith.maximumf %max3A_466, %min3A_478 : vector<16xf32>
      %max3A_480 = arith.maximumf %max3A_467, %get3A_474 : vector<16xf32>
      %min3A_481 = arith.minimumf %max3A_480, %get3A_477 : vector<16xf32>
      %max3A_482 = arith.maximumf %max3A_479, %min3A_481 : vector<16xf32>
      %max3A_483 = arith.maximumf %max3A_480, %get3A_477 : vector<16xf32>
      %get3A_484 = arith.constant 672 : index
      %get3A_485 = tpu.vector_load %arg6[%get3A_484] {strides = array<i32>} : memref<768xf32, #tpu.memory_space<vmem>>, vector<16xf32>,
      %get3A_486 = vector.shape_cast %get3A_485 : vector<16xf32> to vector<16xf32>
      %add3A_487 = arith.addf %add3A_471, %get3A_486 : vector<16xf32>
      %get3A_488 = arith.constant 688 : index
      %get3A_489 = tpu.vector_load %arg6[%get3A_488] {strides = array<i32>} : memref<768xf32, #tpu.memory_space<vmem>>, vector<16xf32>,
      %get3A_490 = vector.shape_cast %get3A_489 : vector<16xf32> to vector<16xf32>
      %get3A_491 = arith.constant 704 : index
      %get3A_492 = tpu.vector_load %arg6[%get3A_491] {strides = array<i32>} : memref<768xf32, #tpu.memory_space<vmem>>, vector<16xf32>,
      %get3A_493 = vector.shape_cast %get3A_492 : vector<16xf32> to vector<16xf32>
      %min3A_494 = arith.minimumf %max3A_483, %get3A_490 : vector<16xf32>
      %max3A_495 = arith.maximumf %max3A_482, %min3A_494 : vector<16xf32>
      %max3A_496 = arith.maximumf %max3A_483, %get3A_490 : vector<16xf32>
      %min3A_497 = arith.minimumf %max3A_496, %get3A_493 : vector<16xf32>
      %max3A_498 = arith.maximumf %max3A_495, %min3A_497 : vector<16xf32>
      %max3A_499 = arith.maximumf %max3A_496, %get3A_493 : vector<16xf32>
      %get3A_500 = arith.constant 720 : index
      %get3A_501 = tpu.vector_load %arg6[%get3A_500] {strides = array<i32>} : memref<768xf32, #tpu.memory_space<vmem>>, vector<16xf32>,
      %get3A_502 = vector.shape_cast %get3A_501 : vector<16xf32> to vector<16xf32>
      %add3A_503 = arith.addf %add3A_487, %get3A_502 : vector<16xf32>
      %get3A_504 = arith.constant 736 : index
      %get3A_505 = tpu.vector_load %arg6[%get3A_504] {strides = array<i32>} : memref<768xf32, #tpu.memory_space<vmem>>, vector<16xf32>,
      %get3A_506 = vector.shape_cast %get3A_505 : vector<16xf32> to vector<16xf32>
      %get3A_507 = arith.constant 752 : index
      %get3A_508 = tpu.vector_load %arg6[%get3A_507] {strides = array<i32>} : memref<768xf32, #tpu.memory_space<vmem>>, vector<16xf32>,
      %get3A_509 = vector.shape_cast %get3A_508 : vector<16xf32> to vector<16xf32>
      %min3A_510 = arith.minimumf %max3A_499, %get3A_506 : vector<16xf32>
      %max3A_511 = arith.maximumf %max3A_498, %min3A_510 : vector<16xf32>
      %max3A_512 = arith.maximumf %max3A_499, %get3A_506 : vector<16xf32>
      %min3A_513 = arith.minimumf %max3A_512, %get3A_509 : vector<16xf32>
      %max3A_514 = arith.maximumf %max3A_511, %min3A_513 : vector<16xf32>
      %max3A_515 = arith.maximumf %max3A_512, %get3A_509 : vector<16xf32>
      %iota3A = tpu.iota {dimensions = array<i32: 0>} : vector<16xi32>
      %xor3A = arith.constant 8 : i32
      %xor3A_516 = vector.broadcast %xor3A : i32 to vector<16xi32>
      %xor3A_517 = arith.xori %iota3A, %xor3A_516 : vector<16xi32>
      %lt3A_518 = arith.constant 0 : i32
      %lt3A_519 = vector.broadcast %lt3A_518 : i32 to vector<16xi32>
      %lt3A_520 = arith.cmpi slt, %xor3A_517, %lt3A_519 : vector<16xi32>
      %add3A_521 = arith.constant 16 : i32
      %add3A_522 = vector.broadcast %add3A_521 : i32 to vector<16xi32>
      %add3A_523 = arith.addi %xor3A_517, %add3A_522 : vector<16xi32>
      %select_n3A_524 = arith.select %lt3A_520, %add3A_523, %xor3A_517 : vector<16xi1>, vector<16xi32>
      %broadcast_in_dim3A_525 = vector.shape_cast %select_n3A_524 : vector<16xi32> to vector<16x1xi32>
      %gather3A = vector.shape_cast %broadcast_in_dim3A_525 : vector<16x1xi32> to vector<16xi32>
      %gather3A_526 = tpu.dynamic_gather %add3A_503[%gather3A] in [0] : vector<16xf32>, vector<16xi32> -> vector<16xf32>
      %add3A_527 = arith.addf %add3A_503, %gather3A_526 : vector<16xf32>
      %xor3A_528 = arith.constant 4 : i32
      %xor3A_529 = vector.broadcast %xor3A_528 : i32 to vector<16xi32>
      %xor3A_530 = arith.xori %iota3A, %xor3A_529 : vector<16xi32>
      %lt3A_531 = arith.constant 0 : i32
      %lt3A_532 = vector.broadcast %lt3A_531 : i32 to vector<16xi32>
      %lt3A_533 = arith.cmpi slt, %xor3A_530, %lt3A_532 : vector<16xi32>
      %add3A_534 = arith.constant 16 : i32
      %add3A_535 = vector.broadcast %add3A_534 : i32 to vector<16xi32>
      %add3A_536 = arith.addi %xor3A_530, %add3A_535 : vector<16xi32>
      %select_n3A_537 = arith.select %lt3A_533, %add3A_536, %xor3A_530 : vector<16xi1>, vector<16xi32>
      %broadcast_in_dim3A_538 = vector.shape_cast %select_n3A_537 : vector<16xi32> to vector<16x1xi32>
      %gather3A_539 = vector.shape_cast %broadcast_in_dim3A_538 : vector<16x1xi32> to vector<16xi32>
      %gather3A_540 = tpu.dynamic_gather %add3A_527[%gather3A_539] in [0] : vector<16xf32>, vector<16xi32> -> vector<16xf32>
      %add3A_541 = arith.addf %add3A_527, %gather3A_540 : vector<16xf32>
      %xor3A_542 = arith.constant 2 : i32
      %xor3A_543 = vector.broadcast %xor3A_542 : i32 to vector<16xi32>
      %xor3A_544 = arith.xori %iota3A, %xor3A_543 : vector<16xi32>
      %lt3A_545 = arith.constant 0 : i32
      %lt3A_546 = vector.broadcast %lt3A_545 : i32 to vector<16xi32>
      %lt3A_547 = arith.cmpi slt, %xor3A_544, %lt3A_546 : vector<16xi32>
      %add3A_548 = arith.constant 16 : i32
      %add3A_549 = vector.broadcast %add3A_548 : i32 to vector<16xi32>
      %add3A_550 = arith.addi %xor3A_544, %add3A_549 : vector<16xi32>
      %select_n3A_551 = arith.select %lt3A_547, %add3A_550, %xor3A_544 : vector<16xi1>, vector<16xi32>
      %broadcast_in_dim3A_552 = vector.shape_cast %select_n3A_551 : vector<16xi32> to vector<16x1xi32>
      %gather3A_553 = vector.shape_cast %broadcast_in_dim3A_552 : vector<16x1xi32> to vector<16xi32>
      %gather3A_554 = tpu.dynamic_gather %add3A_541[%gather3A_553] in [0] : vector<16xf32>, vector<16xi32> -> vector<16xf32>
      %add3A_555 = arith.addf %add3A_541, %gather3A_554 : vector<16xf32>
      %xor3A_556 = arith.constant 1 : i32
      %xor3A_557 = vector.broadcast %xor3A_556 : i32 to vector<16xi32>
      %xor3A_558 = arith.xori %iota3A, %xor3A_557 : vector<16xi32>
      %lt3A_559 = arith.constant 0 : i32
      %lt3A_560 = vector.broadcast %lt3A_559 : i32 to vector<16xi32>
      %lt3A_561 = arith.cmpi slt, %xor3A_558, %lt3A_560 : vector<16xi32>
      %add3A_562 = arith.constant 16 : i32
      %add3A_563 = vector.broadcast %add3A_562 : i32 to vector<16xi32>
      %add3A_564 = arith.addi %xor3A_558, %add3A_563 : vector<16xi32>
      %select_n3A_565 = arith.select %lt3A_561, %add3A_564, %xor3A_558 : vector<16xi1>, vector<16xi32>
      %broadcast_in_dim3A_566 = vector.shape_cast %select_n3A_565 : vector<16xi32> to vector<16x1xi32>
      %gather3A_567 = vector.shape_cast %broadcast_in_dim3A_566 : vector<16x1xi32> to vector<16xi32>
      %gather3A_568 = tpu.dynamic_gather %add3A_555[%gather3A_567] in [0] : vector<16xf32>, vector<16xi32> -> vector<16xf32>
      %add3A_569 = arith.addf %add3A_555, %gather3A_568 : vector<16xf32>
      %xor3A_570 = arith.constant 8 : i32
      %xor3A_571 = vector.broadcast %xor3A_570 : i32 to vector<16xi32>
      %xor3A_572 = arith.xori %iota3A, %xor3A_571 : vector<16xi32>
      %lt3A_573 = arith.constant 0 : i32
      %lt3A_574 = vector.broadcast %lt3A_573 : i32 to vector<16xi32>
      %lt3A_575 = arith.cmpi slt, %xor3A_572, %lt3A_574 : vector<16xi32>
      %add3A_576 = arith.constant 16 : i32
      %add3A_577 = vector.broadcast %add3A_576 : i32 to vector<16xi32>
      %add3A_578 = arith.addi %xor3A_572, %add3A_577 : vector<16xi32>
      %select_n3A_579 = arith.select %lt3A_575, %add3A_578, %xor3A_572 : vector<16xi1>, vector<16xi32>
      %broadcast_in_dim3A_580 = vector.shape_cast %select_n3A_579 : vector<16xi32> to vector<16x1xi32>
      %gather3A_581 = vector.shape_cast %broadcast_in_dim3A_580 : vector<16x1xi32> to vector<16xi32>
      %gather3A_582 = tpu.dynamic_gather %max3A_515[%gather3A_581] in [0] : vector<16xf32>, vector<16xi32> -> vector<16xf32>
      %max3A_583 = arith.maximumf %max3A_515, %gather3A_582 : vector<16xf32>
      %xor3A_584 = arith.constant 4 : i32
      %xor3A_585 = vector.broadcast %xor3A_584 : i32 to vector<16xi32>
      %xor3A_586 = arith.xori %iota3A, %xor3A_585 : vector<16xi32>
      %lt3A_587 = arith.constant 0 : i32
      %lt3A_588 = vector.broadcast %lt3A_587 : i32 to vector<16xi32>
      %lt3A_589 = arith.cmpi slt, %xor3A_586, %lt3A_588 : vector<16xi32>
      %add3A_590 = arith.constant 16 : i32
      %add3A_591 = vector.broadcast %add3A_590 : i32 to vector<16xi32>
      %add3A_592 = arith.addi %xor3A_586, %add3A_591 : vector<16xi32>
      %select_n3A_593 = arith.select %lt3A_589, %add3A_592, %xor3A_586 : vector<16xi1>, vector<16xi32>
      %broadcast_in_dim3A_594 = vector.shape_cast %select_n3A_593 : vector<16xi32> to vector<16x1xi32>
      %gather3A_595 = vector.shape_cast %broadcast_in_dim3A_594 : vector<16x1xi32> to vector<16xi32>
      %gather3A_596 = tpu.dynamic_gather %max3A_583[%gather3A_595] in [0] : vector<16xf32>, vector<16xi32> -> vector<16xf32>
      %max3A_597 = arith.maximumf %max3A_583, %gather3A_596 : vector<16xf32>
      %xor3A_598 = arith.constant 2 : i32
      %xor3A_599 = vector.broadcast %xor3A_598 : i32 to vector<16xi32>
      %xor3A_600 = arith.xori %iota3A, %xor3A_599 : vector<16xi32>
      %lt3A_601 = arith.constant 0 : i32
      %lt3A_602 = vector.broadcast %lt3A_601 : i32 to vector<16xi32>
      %lt3A_603 = arith.cmpi slt, %xor3A_600, %lt3A_602 : vector<16xi32>
      %add3A_604 = arith.constant 16 : i32
      %add3A_605 = vector.broadcast %add3A_604 : i32 to vector<16xi32>
      %add3A_606 = arith.addi %xor3A_600, %add3A_605 : vector<16xi32>
      %select_n3A_607 = arith.select %lt3A_603, %add3A_606, %xor3A_600 : vector<16xi1>, vector<16xi32>
      %broadcast_in_dim3A_608 = vector.shape_cast %select_n3A_607 : vector<16xi32> to vector<16x1xi32>
      %gather3A_609 = vector.shape_cast %broadcast_in_dim3A_608 : vector<16x1xi32> to vector<16xi32>
      %gather3A_610 = tpu.dynamic_gather %max3A_597[%gather3A_609] in [0] : vector<16xf32>, vector<16xi32> -> vector<16xf32>
      %max3A_611 = arith.maximumf %max3A_597, %gather3A_610 : vector<16xf32>
      %xor3A_612 = arith.constant 1 : i32
      %xor3A_613 = vector.broadcast %xor3A_612 : i32 to vector<16xi32>
      %xor3A_614 = arith.xori %iota3A, %xor3A_613 : vector<16xi32>
      %lt3A_615 = arith.constant 0 : i32
      %lt3A_616 = vector.broadcast %lt3A_615 : i32 to vector<16xi32>
      %lt3A_617 = arith.cmpi slt, %xor3A_614, %lt3A_616 : vector<16xi32>
      %add3A_618 = arith.constant 16 : i32
      %add3A_619 = vector.broadcast %add3A_618 : i32 to vector<16xi32>
      %add3A_620 = arith.addi %xor3A_614, %add3A_619 : vector<16xi32>
      %select_n3A_621 = arith.select %lt3A_617, %add3A_620, %xor3A_614 : vector<16xi1>, vector<16xi32>
      %broadcast_in_dim3A_622 = vector.shape_cast %select_n3A_621 : vector<16xi32> to vector<16x1xi32>
      %gather3A_623 = vector.shape_cast %broadcast_in_dim3A_622 : vector<16x1xi32> to vector<16xi32>
      %gather3A_624 = tpu.dynamic_gather %max3A_611[%gather3A_623] in [0] : vector<16xf32>, vector<16xi32> -> vector<16xf32>
      %max3A_625 = arith.maximumf %max3A_611, %gather3A_624 : vector<16xf32>
      %eq3A_626 = arith.cmpf oeq, %max3A_515, %max3A_625 : vector<16xf32>
      %jit3A_627 = arith.constant 16 : i32
      %broadcast_in_dim3A_628 = vector.broadcast %jit3A_627 : i32 to vector<16xi32>
      %select_n3A_629 = arith.select %eq3A_626, %iota3A, %broadcast_in_dim3A_628 : vector<16xi1>, vector<16xi32>
      %xor3A_630 = arith.constant 8 : i32
      %xor3A_631 = vector.broadcast %xor3A_630 : i32 to vector<16xi32>
      %xor3A_632 = arith.xori %iota3A, %xor3A_631 : vector<16xi32>
      %lt3A_633 = arith.constant 0 : i32
      %lt3A_634 = vector.broadcast %lt3A_633 : i32 to vector<16xi32>
      %lt3A_635 = arith.cmpi slt, %xor3A_632, %lt3A_634 : vector<16xi32>
      %add3A_636 = arith.constant 16 : i32
      %add3A_637 = vector.broadcast %add3A_636 : i32 to vector<16xi32>
      %add3A_638 = arith.addi %xor3A_632, %add3A_637 : vector<16xi32>
      %select_n3A_639 = arith.select %lt3A_635, %add3A_638, %xor3A_632 : vector<16xi1>, vector<16xi32>
      %broadcast_in_dim3A_640 = vector.shape_cast %select_n3A_639 : vector<16xi32> to vector<16x1xi32>
      %gather3A_641 = vector.shape_cast %broadcast_in_dim3A_640 : vector<16x1xi32> to vector<16xi32>
      %gather3A_642 = tpu.dynamic_gather %select_n3A_629[%gather3A_641] in [0] : vector<16xi32>, vector<16xi32> -> vector<16xi32>
      %min3A_643 = arith.minsi %select_n3A_629, %gather3A_642 : vector<16xi32>
      %xor3A_644 = arith.constant 4 : i32
      %xor3A_645 = vector.broadcast %xor3A_644 : i32 to vector<16xi32>
      %xor3A_646 = arith.xori %iota3A, %xor3A_645 : vector<16xi32>
      %lt3A_647 = arith.constant 0 : i32
      %lt3A_648 = vector.broadcast %lt3A_647 : i32 to vector<16xi32>
      %lt3A_649 = arith.cmpi slt, %xor3A_646, %lt3A_648 : vector<16xi32>
      %add3A_650 = arith.constant 16 : i32
      %add3A_651 = vector.broadcast %add3A_650 : i32 to vector<16xi32>
      %add3A_652 = arith.addi %xor3A_646, %add3A_651 : vector<16xi32>
      %select_n3A_653 = arith.select %lt3A_649, %add3A_652, %xor3A_646 : vector<16xi1>, vector<16xi32>
      %broadcast_in_dim3A_654 = vector.shape_cast %select_n3A_653 : vector<16xi32> to vector<16x1xi32>
      %gather3A_655 = vector.shape_cast %broadcast_in_dim3A_654 : vector<16x1xi32> to vector<16xi32>
      %gather3A_656 = tpu.dynamic_gather %min3A_643[%gather3A_655] in [0] : vector<16xi32>, vector<16xi32> -> vector<16xi32>
      %min3A_657 = arith.minsi %min3A_643, %gather3A_656 : vector<16xi32>
      %xor3A_658 = arith.constant 2 : i32
      %xor3A_659 = vector.broadcast %xor3A_658 : i32 to vector<16xi32>
      %xor3A_660 = arith.xori %iota3A, %xor3A_659 : vector<16xi32>
      %lt3A_661 = arith.constant 0 : i32
      %lt3A_662 = vector.broadcast %lt3A_661 : i32 to vector<16xi32>
      %lt3A_663 = arith.cmpi slt, %xor3A_660, %lt3A_662 : vector<16xi32>
      %add3A_664 = arith.constant 16 : i32
      %add3A_665 = vector.broadcast %add3A_664 : i32 to vector<16xi32>
      %add3A_666 = arith.addi %xor3A_660, %add3A_665 : vector<16xi32>
      %select_n3A_667 = arith.select %lt3A_663, %add3A_666, %xor3A_660 : vector<16xi1>, vector<16xi32>
      %broadcast_in_dim3A_668 = vector.shape_cast %select_n3A_667 : vector<16xi32> to vector<16x1xi32>
      %gather3A_669 = vector.shape_cast %broadcast_in_dim3A_668 : vector<16x1xi32> to vector<16xi32>
      %gather3A_670 = tpu.dynamic_gather %min3A_657[%gather3A_669] in [0] : vector<16xi32>, vector<16xi32> -> vector<16xi32>
      %min3A_671 = arith.minsi %min3A_657, %gather3A_670 : vector<16xi32>
      %xor3A_672 = arith.constant 1 : i32
      %xor3A_673 = vector.broadcast %xor3A_672 : i32 to vector<16xi32>
      %xor3A_674 = arith.xori %iota3A, %xor3A_673 : vector<16xi32>
      %lt3A_675 = arith.constant 0 : i32
      %lt3A_676 = vector.broadcast %lt3A_675 : i32 to vector<16xi32>
      %lt3A_677 = arith.cmpi slt, %xor3A_674, %lt3A_676 : vector<16xi32>
      %add3A_678 = arith.constant 16 : i32
      %add3A_679 = vector.broadcast %add3A_678 : i32 to vector<16xi32>
      %add3A_680 = arith.addi %xor3A_674, %add3A_679 : vector<16xi32>
      %select_n3A_681 = arith.select %lt3A_677, %add3A_680, %xor3A_674 : vector<16xi1>, vector<16xi32>
      %broadcast_in_dim3A_682 = vector.shape_cast %select_n3A_681 : vector<16xi32> to vector<16x1xi32>
      %gather3A_683 = vector.shape_cast %broadcast_in_dim3A_682 : vector<16x1xi32> to vector<16xi32>
      %gather3A_684 = tpu.dynamic_gather %min3A_671[%gather3A_683] in [0] : vector<16xi32>, vector<16xi32> -> vector<16xi32>
      %min3A_685 = arith.minsi %min3A_671, %gather3A_684 : vector<16xi32>
      %eq3A_686 = arith.cmpi eq, %iota3A, %min3A_685 : vector<16xi32>
      %jit3A_687 = arith.constant 0xFF800000 : f32
      %broadcast_in_dim3A_688 = vector.broadcast %jit3A_687 : f32 to vector<16xf32>
      %select_n3A_689 = arith.select %eq3A_686, %broadcast_in_dim3A_688, %max3A_515 : vector<16xi1>, vector<16xf32>
      %xor3A_690 = arith.constant 8 : i32
      %xor3A_691 = vector.broadcast %xor3A_690 : i32 to vector<16xi32>
      %xor3A_692 = arith.xori %iota3A, %xor3A_691 : vector<16xi32>
      %lt3A_693 = arith.constant 0 : i32
      %lt3A_694 = vector.broadcast %lt3A_693 : i32 to vector<16xi32>
      %lt3A_695 = arith.cmpi slt, %xor3A_692, %lt3A_694 : vector<16xi32>
      %add3A_696 = arith.constant 16 : i32
      %add3A_697 = vector.broadcast %add3A_696 : i32 to vector<16xi32>
      %add3A_698 = arith.addi %xor3A_692, %add3A_697 : vector<16xi32>
      %select_n3A_699 = arith.select %lt3A_695, %add3A_698, %xor3A_692 : vector<16xi1>, vector<16xi32>
      %broadcast_in_dim3A_700 = vector.shape_cast %select_n3A_699 : vector<16xi32> to vector<16x1xi32>
      %gather3A_701 = vector.shape_cast %broadcast_in_dim3A_700 : vector<16x1xi32> to vector<16xi32>
      %gather3A_702 = tpu.dynamic_gather %select_n3A_689[%gather3A_701] in [0] : vector<16xf32>, vector<16xi32> -> vector<16xf32>
      %max3A_703 = arith.maximumf %select_n3A_689, %gather3A_702 : vector<16xf32>
      %xor3A_704 = arith.constant 4 : i32
      %xor3A_705 = vector.broadcast %xor3A_704 : i32 to vector<16xi32>
      %xor3A_706 = arith.xori %iota3A, %xor3A_705 : vector<16xi32>
      %lt3A_707 = arith.constant 0 : i32
      %lt3A_708 = vector.broadcast %lt3A_707 : i32 to vector<16xi32>
      %lt3A_709 = arith.cmpi slt, %xor3A_706, %lt3A_708 : vector<16xi32>
      %add3A_710 = arith.constant 16 : i32
      %add3A_711 = vector.broadcast %add3A_710 : i32 to vector<16xi32>
      %add3A_712 = arith.addi %xor3A_706, %add3A_711 : vector<16xi32>
      %select_n3A_713 = arith.select %lt3A_709, %add3A_712, %xor3A_706 : vector<16xi1>, vector<16xi32>
      %broadcast_in_dim3A_714 = vector.shape_cast %select_n3A_713 : vector<16xi32> to vector<16x1xi32>
      %gather3A_715 = vector.shape_cast %broadcast_in_dim3A_714 : vector<16x1xi32> to vector<16xi32>
      %gather3A_716 = tpu.dynamic_gather %max3A_703[%gather3A_715] in [0] : vector<16xf32>, vector<16xi32> -> vector<16xf32>
      %max3A_717 = arith.maximumf %max3A_703, %gather3A_716 : vector<16xf32>
      %xor3A_718 = arith.constant 2 : i32
      %xor3A_719 = vector.broadcast %xor3A_718 : i32 to vector<16xi32>
      %xor3A_720 = arith.xori %iota3A, %xor3A_719 : vector<16xi32>
      %lt3A_721 = arith.constant 0 : i32
      %lt3A_722 = vector.broadcast %lt3A_721 : i32 to vector<16xi32>
      %lt3A_723 = arith.cmpi slt, %xor3A_720, %lt3A_722 : vector<16xi32>
      %add3A_724 = arith.constant 16 : i32
      %add3A_725 = vector.broadcast %add3A_724 : i32 to vector<16xi32>
      %add3A_726 = arith.addi %xor3A_720, %add3A_725 : vector<16xi32>
      %select_n3A_727 = arith.select %lt3A_723, %add3A_726, %xor3A_720 : vector<16xi1>, vector<16xi32>
      %broadcast_in_dim3A_728 = vector.shape_cast %select_n3A_727 : vector<16xi32> to vector<16x1xi32>
      %gather3A_729 = vector.shape_cast %broadcast_in_dim3A_728 : vector<16x1xi32> to vector<16xi32>
      %gather3A_730 = tpu.dynamic_gather %max3A_717[%gather3A_729] in [0] : vector<16xf32>, vector<16xi32> -> vector<16xf32>
      %max3A_731 = arith.maximumf %max3A_717, %gather3A_730 : vector<16xf32>
      %xor3A_732 = arith.constant 1 : i32
      %xor3A_733 = vector.broadcast %xor3A_732 : i32 to vector<16xi32>
      %xor3A_734 = arith.xori %iota3A, %xor3A_733 : vector<16xi32>
      %lt3A_735 = arith.constant 0 : i32
      %lt3A_736 = vector.broadcast %lt3A_735 : i32 to vector<16xi32>
      %lt3A_737 = arith.cmpi slt, %xor3A_734, %lt3A_736 : vector<16xi32>
      %add3A_738 = arith.constant 16 : i32
      %add3A_739 = vector.broadcast %add3A_738 : i32 to vector<16xi32>
      %add3A_740 = arith.addi %xor3A_734, %add3A_739 : vector<16xi32>
      %select_n3A_741 = arith.select %lt3A_737, %add3A_740, %xor3A_734 : vector<16xi1>, vector<16xi32>
      %broadcast_in_dim3A_742 = vector.shape_cast %select_n3A_741 : vector<16xi32> to vector<16x1xi32>
      %gather3A_743 = vector.shape_cast %broadcast_in_dim3A_742 : vector<16x1xi32> to vector<16xi32>
      %gather3A_744 = tpu.dynamic_gather %max3A_731[%gather3A_743] in [0] : vector<16xf32>, vector<16xi32> -> vector<16xf32>
      %max3A_745 = arith.maximumf %max3A_731, %gather3A_744 : vector<16xf32>
      %xor3A_746 = arith.constant 8 : i32
      %xor3A_747 = vector.broadcast %xor3A_746 : i32 to vector<16xi32>
      %xor3A_748 = arith.xori %iota3A, %xor3A_747 : vector<16xi32>
      %lt3A_749 = arith.constant 0 : i32
      %lt3A_750 = vector.broadcast %lt3A_749 : i32 to vector<16xi32>
      %lt3A_751 = arith.cmpi slt, %xor3A_748, %lt3A_750 : vector<16xi32>
      %add3A_752 = arith.constant 16 : i32
      %add3A_753 = vector.broadcast %add3A_752 : i32 to vector<16xi32>
      %add3A_754 = arith.addi %xor3A_748, %add3A_753 : vector<16xi32>
      %select_n3A_755 = arith.select %lt3A_751, %add3A_754, %xor3A_748 : vector<16xi1>, vector<16xi32>
      %broadcast_in_dim3A_756 = vector.shape_cast %select_n3A_755 : vector<16xi32> to vector<16x1xi32>
      %gather3A_757 = vector.shape_cast %broadcast_in_dim3A_756 : vector<16x1xi32> to vector<16xi32>
      %gather3A_758 = tpu.dynamic_gather %max3A_514[%gather3A_757] in [0] : vector<16xf32>, vector<16xi32> -> vector<16xf32>
      %max3A_759 = arith.maximumf %max3A_514, %gather3A_758 : vector<16xf32>
      %xor3A_760 = arith.constant 4 : i32
      %xor3A_761 = vector.broadcast %xor3A_760 : i32 to vector<16xi32>
      %xor3A_762 = arith.xori %iota3A, %xor3A_761 : vector<16xi32>
      %lt3A_763 = arith.constant 0 : i32
      %lt3A_764 = vector.broadcast %lt3A_763 : i32 to vector<16xi32>
      %lt3A_765 = arith.cmpi slt, %xor3A_762, %lt3A_764 : vector<16xi32>
      %add3A_766 = arith.constant 16 : i32
      %add3A_767 = vector.broadcast %add3A_766 : i32 to vector<16xi32>
      %add3A_768 = arith.addi %xor3A_762, %add3A_767 : vector<16xi32>
      %select_n3A_769 = arith.select %lt3A_765, %add3A_768, %xor3A_762 : vector<16xi1>, vector<16xi32>
      %broadcast_in_dim3A_770 = vector.shape_cast %select_n3A_769 : vector<16xi32> to vector<16x1xi32>
      %gather3A_771 = vector.shape_cast %broadcast_in_dim3A_770 : vector<16x1xi32> to vector<16xi32>
      %gather3A_772 = tpu.dynamic_gather %max3A_759[%gather3A_771] in [0] : vector<16xf32>, vector<16xi32> -> vector<16xf32>
      %max3A_773 = arith.maximumf %max3A_759, %gather3A_772 : vector<16xf32>
      %xor3A_774 = arith.constant 2 : i32
      %xor3A_775 = vector.broadcast %xor3A_774 : i32 to vector<16xi32>
      %xor3A_776 = arith.xori %iota3A, %xor3A_775 : vector<16xi32>
      %lt3A_777 = arith.constant 0 : i32
      %lt3A_778 = vector.broadcast %lt3A_777 : i32 to vector<16xi32>
      %lt3A_779 = arith.cmpi slt, %xor3A_776, %lt3A_778 : vector<16xi32>
      %add3A_780 = arith.constant 16 : i32
      %add3A_781 = vector.broadcast %add3A_780 : i32 to vector<16xi32>
      %add3A_782 = arith.addi %xor3A_776, %add3A_781 : vector<16xi32>
      %select_n3A_783 = arith.select %lt3A_779, %add3A_782, %xor3A_776 : vector<16xi1>, vector<16xi32>
      %broadcast_in_dim3A_784 = vector.shape_cast %select_n3A_783 : vector<16xi32> to vector<16x1xi32>
      %gather3A_785 = vector.shape_cast %broadcast_in_dim3A_784 : vector<16x1xi32> to vector<16xi32>
      %gather3A_786 = tpu.dynamic_gather %max3A_773[%gather3A_785] in [0] : vector<16xf32>, vector<16xi32> -> vector<16xf32>
      %max3A_787 = arith.maximumf %max3A_773, %gather3A_786 : vector<16xf32>
      %xor3A_788 = arith.constant 1 : i32
      %xor3A_789 = vector.broadcast %xor3A_788 : i32 to vector<16xi32>
      %xor3A_790 = arith.xori %iota3A, %xor3A_789 : vector<16xi32>
      %lt3A_791 = arith.constant 0 : i32
      %lt3A_792 = vector.broadcast %lt3A_791 : i32 to vector<16xi32>
      %lt3A_793 = arith.cmpi slt, %xor3A_790, %lt3A_792 : vector<16xi32>
      %add3A_794 = arith.constant 16 : i32
      %add3A_795 = vector.broadcast %add3A_794 : i32 to vector<16xi32>
      %add3A_796 = arith.addi %xor3A_790, %add3A_795 : vector<16xi32>
      %select_n3A_797 = arith.select %lt3A_793, %add3A_796, %xor3A_790 : vector<16xi1>, vector<16xi32>
      %broadcast_in_dim3A_798 = vector.shape_cast %select_n3A_797 : vector<16xi32> to vector<16x1xi32>
      %gather3A_799 = vector.shape_cast %broadcast_in_dim3A_798 : vector<16x1xi32> to vector<16xi32>
      %gather3A_800 = tpu.dynamic_gather %max3A_787[%gather3A_799] in [0] : vector<16xf32>, vector<16xi32> -> vector<16xf32>
      %max3A_801 = arith.maximumf %max3A_787, %gather3A_800 : vector<16xf32>
      %max3A_802 = arith.maximumf %max3A_801, %max3A_745 : vector<16xf32>
      %swap3A_803 = arith.constant 0 : index
      %swap3A_804 = tpu.vector_load %arg7[%swap3A_803] {strides = array<i32>} : memref<48xf32, #tpu.memory_space<vmem>>, vector<16xf32>,
      %swap3A_805 = vector.shape_cast %swap3A_804 : vector<16xf32> to vector<16xf32>
      %swap3A_806 = vector.shape_cast %add3A_569 : vector<16xf32> to vector<16xf32>
      tpu.vector_store %arg7[%swap3A_803], %swap3A_806 {strides = array<i32>} : memref<48xf32, #tpu.memory_space<vmem>>, vector<16xf32>,
      %swap3A_807 = arith.constant 16 : index
      %swap3A_808 = tpu.vector_load %arg7[%swap3A_807] {strides = array<i32>} : memref<48xf32, #tpu.memory_space<vmem>>, vector<16xf32>,
      %swap3A_809 = vector.shape_cast %swap3A_808 : vector<16xf32> to vector<16xf32>
      %swap3A_810 = vector.shape_cast %max3A_625 : vector<16xf32> to vector<16xf32>
      tpu.vector_store %arg7[%swap3A_807], %swap3A_810 {strides = array<i32>} : memref<48xf32, #tpu.memory_space<vmem>>, vector<16xf32>,
      %swap3A_811 = arith.constant 32 : index
      %swap3A_812 = tpu.vector_load %arg7[%swap3A_811] {strides = array<i32>} : memref<48xf32, #tpu.memory_space<vmem>>, vector<16xf32>,
      %swap3A_813 = vector.shape_cast %swap3A_812 : vector<16xf32> to vector<16xf32>
      %swap3A_814 = vector.shape_cast %max3A_802 : vector<16xf32> to vector<16xf32>
      tpu.vector_store %arg7[%swap3A_811], %swap3A_814 {strides = array<i32>} : memref<48xf32, #tpu.memory_space<vmem>>, vector<16xf32>,
      "tpu.region"() ({
        %run_scoped3A_815 = tpu.sem_alloc : memref<!tpu.dma_semaphore, #tpu.memory_space<semaphore_mem>>
        %dma_start3A = arith.constant 0 : i32
        %dma_start3A_816 = tpu.memref_slice %arg3[%arg0, %dma_start3A] : memref<2x48xf32, #tpu.memory_space<hbm>> -> memref<1x48xf32, #tpu.memory_space<hbm>>
        %dma_start3A_817 = tpu.memref_squeeze %dma_start3A_816 : memref<1x48xf32, #tpu.memory_space<hbm>> -> memref<48xf32, #tpu.memory_space<hbm>>
        %dma_start3A_818 = arith.constant 0 : i32
        %dma_start3A_819 = tpu.memref_slice %arg3[%arg0, %dma_start3A_818] : memref<2x48xf32, #tpu.memory_space<hbm>> -> memref<1x48xf32, #tpu.memory_space<hbm>>
        %dma_start3A_820 = tpu.memref_squeeze %dma_start3A_819 : memref<1x48xf32, #tpu.memory_space<hbm>> -> memref<48xf32, #tpu.memory_space<hbm>>
        tpu.enqueue_dma source(%arg7 : memref<48xf32, #tpu.memory_space<vmem>>) target(%dma_start3A_820 : memref<48xf32, #tpu.memory_space<hbm>>) target_semaphore(%run_scoped3A_815 : memref<!tpu.dma_semaphore, #tpu.memory_space<semaphore_mem>>)
        %dma_wait3A = arith.constant 0 : i32
        %dma_wait3A_821 = tpu.memref_slice %arg3[%arg0, %dma_wait3A] : memref<2x48xf32, #tpu.memory_space<hbm>> -> memref<1x48xf32, #tpu.memory_space<hbm>>
        %dma_wait3A_822 = tpu.memref_squeeze %dma_wait3A_821 : memref<1x48xf32, #tpu.memory_space<hbm>> -> memref<48xf32, #tpu.memory_space<hbm>>
        %dma_wait3A_823 = arith.constant 0 : i32
        %dma_wait3A_824 = tpu.memref_slice %arg3[%arg0, %dma_wait3A_823] : memref<2x48xf32, #tpu.memory_space<hbm>> -> memref<1x48xf32, #tpu.memory_space<hbm>>
        %dma_wait3A_825 = tpu.memref_squeeze %dma_wait3A_824 : memref<1x48xf32, #tpu.memory_space<hbm>> -> memref<48xf32, #tpu.memory_space<hbm>>
        tpu.wait_dma2 semaphore(%run_scoped3A_815 : memref<!tpu.dma_semaphore, #tpu.memory_space<semaphore_mem>>) src(%arg7 : memref<48xf32, #tpu.memory_space<vmem>>) dst(%dma_wait3A_825 : memref<48xf32, #tpu.memory_space<hbm>>)
        tpu.yield
      }) : () -> ()
    } else {
    }
    return
  }
}

module attributes {stable_mosaic.version = 14 : i64} {
  func.func @_losses_body(%arg0: i32, %arg1: memref<1x1x2048xi32, #tpu.memory_space<vmem>>, %arg2: memref<2048x1000xf32, #tpu.memory_space<vmem>>, %arg3: memref<1x1x2048xf32, #tpu.memory_space<vmem>>) attributes {dimension_semantics = [#tpu.dimension_semantics<arbitrary>], iteration_bounds = array<i64: 8>, scalar_prefetch = 0 : i64, scratch_operands = 0 : i64, tpu.core_type = #tpu.core_type<tc>, window_params = [{transform_indices = @transform_0, window_bounds = array<i64: 1, 1, 2048>}, {transform_indices = @transform_1, window_bounds = array<i64: 2048, 1000>}, {transform_indices = @transform_2, window_bounds = array<i64: 1, 1, 2048>}]} {
    %get3A = arith.constant 0 : index
    %get3A_0 = arith.constant 0 : index
    %get3A_1 = vector.load %arg2[%get3A, %get3A_0] : memref<2048x1000xf32, #tpu.memory_space<vmem>>, vector<2048x1000xf32>
    %get3A_2 = arith.constant 0 : index
    %get3A_3 = arith.constant 0 : index
    %get3A_4 = arith.constant 0 : index
    %get3A_5 = vector.load %arg1[%get3A_2, %get3A_3, %get3A_4] : memref<1x1x2048xi32, #tpu.memory_space<vmem>>, vector<1x1x2048xi32>
    %get3A_6 = vector.shape_cast %get3A_5 : vector<1x1x2048xi32> to vector<2048xi32>
    %reduce_max3A = arith.constant dense<0xFF800000> : vector<2048xf32>
    %reduce_max3A_7 = vector.multi_reduction <maximumf>, %get3A_1, %reduce_max3A [1] : vector<2048x1000xf32> to vector<2048xf32>
    %broadcast_in_dim3A = vector.shape_cast %reduce_max3A_7 : vector<2048xf32> to vector<2048x1xf32>
    %sub3A = vector.broadcast %broadcast_in_dim3A : vector<2048x1xf32> to vector<2048x1000xf32>
    %sub3A_8 = arith.subf %get3A_1, %sub3A : vector<2048x1000xf32>
    %exp3A = math.exp %sub3A_8 : vector<2048x1000xf32>
    %reduce_sum3A = arith.constant dense<0.000000e+00> : vector<2048xf32>
    %reduce_sum3A_9 = vector.multi_reduction <add>, %exp3A, %reduce_sum3A [1] : vector<2048x1000xf32> to vector<2048xf32>
    %broadcast_in_dim3A_10 = vector.shape_cast %reduce_sum3A_9 : vector<2048xf32> to vector<2048x1xf32>
    %log3A = math.log %broadcast_in_dim3A_10 : vector<2048x1xf32>
    %add3A = arith.addf %broadcast_in_dim3A, %log3A : vector<2048x1xf32>
    %iota3A = tpu.iota {dimensions = array<i32: 1>} : vector<2048x1000xi32>
    %broadcast_in_dim3A_11 = vector.shape_cast %get3A_6 : vector<2048xi32> to vector<2048x1xi32>
    %eq3A = vector.broadcast %broadcast_in_dim3A_11 : vector<2048x1xi32> to vector<2048x1000xi32>
    %eq3A_12 = arith.cmpi eq, %iota3A, %eq3A : vector<2048x1000xi32>
    %jit3A = arith.constant 0.000000e+00 : f32
    %broadcast_in_dim3A_13 = vector.broadcast %jit3A : f32 to vector<2048x1000xf32>
    %select_n3A = arith.select %eq3A_12, %get3A_1, %broadcast_in_dim3A_13 : vector<2048x1000xi1>, vector<2048x1000xf32>
    %reduce_sum3A_14 = arith.constant dense<0.000000e+00> : vector<2048xf32>
    %reduce_sum3A_15 = vector.multi_reduction <add>, %select_n3A, %reduce_sum3A_14 [1] : vector<2048x1000xf32> to vector<2048xf32>
    %broadcast_in_dim3A_16 = vector.shape_cast %reduce_sum3A_15 : vector<2048xf32> to vector<2048x1xf32>
    %sub3A_17 = arith.subf %add3A, %broadcast_in_dim3A_16 : vector<2048x1xf32>
    %reshape3A = vector.shape_cast %sub3A_17 : vector<2048x1xf32> to vector<1x1x2048xf32>
    %swap3A = arith.constant 0 : index
    %swap3A_18 = arith.constant 0 : index
    %swap3A_19 = arith.constant 0 : index
    %swap3A_20 = vector.load %arg3[%swap3A, %swap3A_18, %swap3A_19] : memref<1x1x2048xf32, #tpu.memory_space<vmem>>, vector<1x1x2048xf32>
    tpu.vector_store %arg3[%swap3A, %swap3A_18, %swap3A_19], %reshape3A {strides = array<i32>} : memref<1x1x2048xf32, #tpu.memory_space<vmem>>, vector<1x1x2048xf32>,
    return
  }
  func.func @transform_0(%arg0: i32) -> (i32, i32, i32) {
    %c0_i32 = arith.constant 0 : i32
    %c0_i32_0 = arith.constant 0 : i32
    %c0_i32_1 = arith.constant 0 : i32
    return %arg0, %c0_i32, %c0_i32_0 : i32, i32, i32
  }
  func.func @transform_1(%arg0: i32) -> (i32, i32) {
    %c0_i32 = arith.constant 0 : i32
    %c0_i32_0 = arith.constant 0 : i32
    return %arg0, %c0_i32 : i32, i32
  }
  func.func @transform_2(%arg0: i32) -> (i32, i32, i32) {
    %c0_i32 = arith.constant 0 : i32
    %c0_i32_0 = arith.constant 0 : i32
    %c0_i32_1 = arith.constant 0 : i32
    return %arg0, %c0_i32, %c0_i32_0 : i32, i32, i32
  }
}

</mosaic_0001>

<sc_bundles>
// kernel: _ousm.4.cloned.1.call-start
scs
__scs_entry_jumppad:
0x0: {  	(pc) =	sbr.rel $0x88, $3  }
0x1: {  	(tag) =	ssettag $0x0;
	lr =	simm.s32 $0x1  }
0x2: {  	[smem:$0x3F9F] =	sst lr;
	_ =	strace $0xD0000000  }
0x3: {  	_ = 	snop  }
0x4: {  	_ = 	snop  }
0x5: {  	_ = 	snop  }
0x6: {  	_ = 	snop  }
0x7: {  	_ = 	snop  }
__scs_overlays_trampoline_lowered:
0x8: {  	[smem:$0x3FAE] =	sst s0  }
0x9: {  	[smem:$0x3FAF] =	sst s1  }
0xa: {  	[smem:$0x3FB0] =	sst s2  }
0xb: {  	[smem:$0x3FB1] =	sst s3  }
0xc: {  	[smem:$0x3FB2] =	sst s4  }
0xd: {  	[smem:$0x3FB3] =	sst s5  }
0xe: {  	[smem:$0x3FB4] =	sst s6  }
0xf: {  	[smem:$0x3FB5] =	sst s7  }
0x10: {  	[smem:$0x3FB6] =	sst s8  }
0x11: {  	[smem:$0x3FB7] =	sst s9;
	s0 =	simm.s32 @!p0 $0x0  }
0x12: {  	s1 =	sld [smem:$0x3F9D];
	s0 =	simm.s32 @p0 $0x1  }
0x13: {  	[smem:$0x3FB8] =	sst s0;
	s0 =	simm.s32 @!p1 $0x0  }
0x14: {  	s2 =	sld [smem:$0x3F9C];
	s0 =	simm.s32 @p1 $0x1  }
0x15: {  	[smem:$0x3FB9] =	sst s0;
	s0 =	simm.s32 @!p2 $0x0  }
0x16: {  	s3 =	sld [smem:$0x3FDB];
	s0 =	simm.s32 @p2 $0x1  }
0x17: {  	s4 =	simm.s32 $0x1BF5;
	[smem:$0x3FBB] =	sst s0  }
0x18: {  	s0 =	sld [smem:$0x3F9E];
	_ =	swait.ge [sflag:s4], $0x0  }
0x19: {  	s7 =	sld [smem:$0x3F9F]  }
0x1a: {  	s8 =	sadd.s32 $0xFFFFE003, lr  }
0x1b: {  	s9 =	sadd.s32 $0xFFFFFEF7, lr;
	s5 =	simm.s32 $0xFFFFFFFF;
	p2 =	slt.u32 s8, $0xFFFFF086  }
0x1c: {  	p1 =	slt.u32 s9, $0xF7A;
	s5 =	simm.s32 @!p2 $0x0  }
0x1d: {  	s5 =	simm.s32 @p1 $0x1;
	p0 =	seq.s32 s7, s2  }
0x1e: {  	s7 =	smul.u32 @!p0 $0xF7A, s2;
	p2 =	seq.s32 @!p0 s5, $0x0  }
0x1f: {  	s9 =	smul.u32 $0xF7A, s1;
	s8 =	simm.s32 @!p0 $0x1BF5;
	p2 =	por !p2, p0  }
0x20: {  	[sflag:s8] =	ssyncset.s32 @!p0 $0xFFFFF086;
	s6 =	sadd.s32 @!p0 s3, s7;
	s7 =	simm.s32 @!p0 $0x108  }
0x21: {  	s3 =	sadd.s32 s3, s9;
	s6 =	sadd.s32 @!p0 $0x88, s6;
	s7 =	simm.s32 @p2 $0x1082  }
0x22: {  	[simem:s7], [sflag:s8] =	dma.local @!p0 [hbm:s6], $0xF7A  }
0x23: {  	s9 =	sor.u32 $0xD0000000, s2;
	s6 =	simm.s32 $0x108;
	_ =	swait.ge @!p0 [sflag:s8], $0x0  }
0x24: {  	s3 =	sadd.s32 $0x88, s3;
	s6 =	simm.s32 @!p1 $0x1082;
	[sflag:s4] =	ssyncset.s32 $0xFFFFF086  }
0x25: {  	[simem:s6], [sflag:s4] =	dma.local [hbm:s3], $0xF7A  }
0x26: {  	[smem:$0x3F9F] =	sst s1;
	(tag) =	ssettag s2;
	_ =	strace s9  }
0x27: {  	s1 =	sld [smem:$0x3FAF]  }
0x28: {  	s2 =	sld [smem:$0x3FB0]  }
0x29: {  	s4 =	sld [smem:$0x3FB2]  }
0x2a: {  	p0 =	seq.s32 s5, $0x0;
	s5 =	sld [smem:$0x3FB3]  }
0x2b: {  	s6 =	sld [smem:$0x3FB4]  }
0x2c: {  	s7 =	sld [smem:$0x3FB5]  }
0x2d: {  	s3 =	simm.s32 $0x108;
	s8 =	sld [smem:$0x3FB6]  }
0x2e: {  	s3 =	simm.s32 @!p0 $0x1082;
	s9 =	sld [smem:$0x3FB7]  }
0x2f: {  	lr =	sadd.s32 s0, s3;
	s0 =	sld [smem:$0x3FAE]  }
0x30: {  	s3 =	sld [smem:$0x3FB1]  }
0x31: {  	[smem:$0x3FBA] =	sst s10  }
0x32: {  	s10 =	sld [smem:$0x3FB8];
	_ =	sdelay $0x3  }
0x33: {  	p0 =	seq.s32 s10, $0x1;
	s10 =	sld [smem:$0x3FBA];
	_ =	sdelay $0x3  }
0x34: {  	[smem:$0x3FBA] =	sst s10  }
0x35: {  	s10 =	sld [smem:$0x3FB9];
	_ =	sdelay $0x3  }
0x36: {  	p1 =	seq.s32 s10, $0x1;
	s10 =	sld [smem:$0x3FBA];
	_ =	sdelay $0x3  }
0x37: {  	[smem:$0x3FBA] =	sst s10  }
0x38: {  	s10 =	sld [smem:$0x3FBB]  }
0x39: {  	_ = 	snop;
	(pc) =	sbr.ind lr, $3  }
0x3a: {  	_ = 	snop  }
0x3b: {  	_ = 	snop  }
0x3c: {  	p2 =	seq.s32 s10, $0x1;
	s10 =	sld [smem:$0x3FBA]  }
0x3d: {  	_ =	shalt  }
0x3e: {  	_ =	shalt  }
0x3f: {  	_ =	shalt  }
0x40: {  	_ =	shalt  }
0x41: {  	_ =	shalt  }
0x42: {  	_ =	shalt  }
0x43: {  	_ =	shalt  }
0x44: {  	_ =	shalt  }
0x45: {  	_ =	shalt  }
0x46: {  	_ =	shalt  }
0x47: {  	_ =	shalt  }
0x48: {  	_ =	shalt  }
0x49: {  	_ =	shalt  }
0x4a: {  	_ =	shalt  }
0x4b: {  	_ =	shalt  }
0x4c: {  	_ =	shalt  }
0x4d: {  	_ =	shalt  }
0x4e: {  	_ =	shalt  }
0x4f: {  	_ =	shalt  }
0x50: {  	_ =	shalt  }
0x51: {  	_ =	shalt  }
0x52: {  	_ =	shalt  }
0x53: {  	_ =	shalt  }
0x54: {  	_ =	shalt  }
0x55: {  	_ =	shalt  }
0x56: {  	_ =	shalt  }
0x57: {  	_ =	shalt  }
0x58: {  	_ =	shalt  }
0x59: {  	_ =	shalt  }
0x5a: {  	_ =	shalt  }
0x5b: {  	_ =	shalt  }
0x5c: {  	_ =	shalt  }
0x5d: {  	_ =	shalt  }
0x5e: {  	_ =	shalt  }
0x5f: {  	_ =	shalt  }
0x60: {  	_ =	shalt  }
0x61: {  	_ =	shalt  }
0x62: {  	_ =	shalt  }
0x63: {  	_ =	shalt  }
0x64: {  	_ =	shalt  }
0x65: {  	_ =	shalt  }
0x66: {  	_ =	shalt  }
0x67: {  	_ =	shalt  }
0x68: {  	_ =	shalt  }
0x69: {  	_ =	shalt  }
0x6a: {  	_ =	shalt  }
0x6b: {  	_ =	shalt  }
0x6c: {  	_ =	shalt  }
0x6d: {  	_ =	shalt  }
0x6e: {  	_ =	shalt  }
0x6f: {  	_ =	shalt  }
0x70: {  	_ =	shalt  }
0x71: {  	_ =	shalt  }
0x72: {  	_ =	shalt  }
0x73: {  	_ =	shalt  }
0x74: {  	_ =	shalt  }
0x75: {  	_ =	shalt  }
0x76: {  	_ =	shalt  }
0x77: {  	_ =	shalt  }
0x78: {  	_ =	shalt  }
0x79: {  	_ =	shalt  }
0x7a: {  	_ =	shalt  }
0x7b: {  	_ =	shalt  }
0x7c: {  	_ =	shalt  }
0x7d: {  	_ =	shalt  }
0x7e: {  	_ =	shalt  }
0x7f: {  	_ =	shalt  }
0x80: {  	_ =	shalt  }
0x81: {  	_ =	shalt  }
0x82: {  	_ =	shalt  }
0x83: {  	_ =	shalt  }
0x84: {  	_ =	shalt  }
0x85: {  	_ =	shalt  }
0x86: {  	_ =	shalt  }
0x87: {  	_ =	shalt  }
.Lfunc_end0:
.L_simem_size_0:
called_computation_lowered:
.L_overlay_start_0:
0x88: {  	s2 =	sld [smem:$0x3FD9]  }
0x89: {  	s3 =	sld [smem:$0x3FFE];
	_ =	sdelay $0x1  }
0x8a: {  	s1 =	srdreg.scid  }
0x8b: {  	s0 =	sand.u32 $0x1, s1  }
0x8c: {  	s16 =	sshll.u32 s0, $0xA;
	s2 =	sadd.s32 s3, s2  }
0x8d: {  	s2 =	sadd.s32 s2, s16  }
0x8e: {  	[smem:$0x3FC6] =	sst s2  }
0x8f: {  	_ = 	snop  }
0x90: {  	(tm) =	ssettm $0x1  }
0x91: {  	s17 =	sld [smem:$0x3FFB];
	_ =	sdelay $0x3  }
0x92: {  	_ =	strace s17  }
0x93: {  	s2 =	sld [smem:$0x3FFC];
	_ =	sdelay $0x3  }
0x94: {  	_ =	strace s2  }
0x95: {  	s2 =	sld [smem:$0x3FFD];
	_ =	sdelay $0x3  }
0x96: {  	_ =	strace s2  }
0x97: {  	_ =	strace $0x8FFFFFFF  }
0x98: {  	s18 =	sld [smem:$0x3FDB];
	_ =	sdelay $0x1  }
0x99: {  	s19 =	simm.s32 $_scs_section_size  }
0x9a: {  	s4 =	simm.s32 $_size__tile_overlayer_lowered;
	s5 =	simm.s32 $_tile_overlayer_lowered  }
0x9b: {  	s22 =	simm.s32 $0x1BFF;
	s21 =	sshll.u32 s5, $0x1;
	s2 =	sadd.s32 s19, s18  }
0x9c: {  	s6 =	simm.s32 $0x0;
	s20 =	sshll.u32 s4, $0x1;
	s4 =	sadd.s32 s21, s2  }
0x9d: {  	[timem:s6], [sflag:s22] =	dma.local [hbm:s4], s20  }
0x9e: {  	_ =	swait.ge [sflag:s22], s20  }
0x9f: {  	s3 =	ssub.s32 $0x0, s20;
	[sflag:s22] =	ssyncset.done $0x0  }
0xa0: {  	[sflag:s22] =	ssyncadd.s32 s3;
	_ =	sdelay $0x1  }
0xa1: {  	s23 =	simm.s32 $0x1B8B  }
0xa2: {  	_ =	swait.ge [sflag:s23], $0x1  }
0xa3: {  	[sflag:s23] =	ssyncset.done $0x0  }
0xa4: {  	s25 =	simm.s32 $0x1B8E;
	s24 =	sld [smem:$0x3FFE];
	[sflag:s23] =	ssyncadd.s32 $0xFFFFFFFF  }
0xa5: {  	s26 =	simm.s32 $execute0_lowered;
	[smem:$0x3FD2] =	sst s25  }
0xa6: {  	s4 =	sshll.u32 s26, $0x1;
	_ =	strace $0x80000046;
	[dreg:$0x1] =	wrdreg $0xFFFFFFFF  }
0xa7: {  	s28 =	simm.s32 $_size_execute0_lowered;
	s2 =	sadd.s32 s2, s4;
	[dreg:$0x0] =	wrdreg $0x0  }
0xa8: {  	s4 =	sshll.u32 s28, $0x1;
	[dreg:$0x2] =	wrdreg s2  }
0xa9: {  	[dreg:$0x3] =	wrdreg s4  }
0xaa: {  	[dreg:$0x4] =	wrdreg $0xC0  }
0xab: {  	_ =	task [dreg:s6], $0x5FFFF  }
0xac: {  	[dreg:$0x1] =	wrdreg $0xFFFFFFFF  }
0xad: {  	[dreg:$0x0] =	wrdreg $0x60  }
0xae: {  	[dreg:$0x2] =	wrdreg s24  }
0xaf: {  	[dreg:$0x3] =	wrdreg $0x6000  }
0xb0: {  	[dreg:$0x4] =	wrdreg $0x9  }
0xb1: {  	_ =	task.clear_ibuf [dreg:s6], $0x5FFFF;
	_ =	strace $0x90000046  }
0xb2: {  	s29 =	simm.s32 $0x9;
	_ =	strace $0x80000048  }
0xb3: {  	_ =	swait.ge [sflag:s29], $0x1  }
0xb4: {  	[sflag:s29] =	ssyncadd.s32 $0xFFFFFFFF  }
0xb5: {  	_ =	strace $0x90000048  }
0xb6: {  	_ =	sfence  }
0xb7: {  	s30 =	sld [smem:$0x0];
	_ =	sdelay $0x2  }
0xb8: {  	s31 =	sshll.u32 s1, $0xD;
	s1 =	sshrl.u32 s1, $0x2  }
0xb9: {  	s3 =	sand.u32 $0x4000, s31;
	s1 =	sadd.s32 s1, s30  }
0xba: {  	s0 =	sor.u32 s3, s0;
	s1 =	sshll.u32 s1, $0x11  }
0xbb: {  	s0 =	sor.u32 s1, s0  }
0xbc: {  	s0 =	sadd.s32 $0x8F2B, s0  }
0xbd: {  	[sflag:s0] =	ssyncadd.remote.s32 $0x1  }
0xbe: {  	_ =	sfence.sel $0xFFFF  }
0xbf: {  	[dreg:$0x0] =	wrdreg $0xFFFFFFFF;
	(pc) =	sbr.abs _section_cstart, $3  }
0xc0: {  	[dreg:$0x1] =	wrdreg $0xFFFFFFFF  }
0xc1: {  	_ =	task.clear_ibuf [dreg:s6], $0x2FFFF;
	_ =	strace $0x9FFFFFFF  }
0xc2: {  	(tm) =	ssettm $0x7FFFFFFF  }
0xc3: {  	_ =	shalt  }
tec
execute0_lowered:
.L_overlay_start_1:
0x0: {  	(tag) =	ssettag $0x1  }
0x1: {  	v0 =	vimm.s32 $0xFEDCBA98;
	s3 =	rddreg [dreg:$0x0];
	v1 =	vimm.s32 $0x76543210;
	v2 =	vimm.s32 $0xBA98FEDC  }
0x2: {  	s0 =	rddreg [dreg:$0x1];
	s1 =	simm.s32 $0x0;
	s7 =	stileid.u32;
	v3 =	vimm.s32 $0x32107654;
	v4 =	vimm.s32 $0xDCFE98BA;
	v5 =	vimm.s32 $0x54761032  }
0x3: {  	s2 =	rddreg [dreg:$0x2];
	s5 =	srdreg.scid;
	v6 =	vimm.s32 $0xEFCDAB89;
	v7 =	vimm.s32 $0x67452301;
	s10 =	simm.s32 $0x580  }
0x4: {  	v0 =	vunpack.c.l.s4.s8 v0;
	[smem:$0x7FF] =	sst s1;
	v1 =	vunpack.c.l.s4.s8 v1;
	s4 =	sshll.u32 s7, $0x7;
	v2 =	vunpack.c.l.s4.s8 v2;
	s5 =	sand.u32 $0x1, s5  }
0x5: {  	v3 =	vunpack.c.l.s4.s8 v3;
	v4 =	vunpack.c.l.s4.s8 v4;
	s6 =	sshll.u32 s7, $0x1;
	v5 =	vunpack.c.l.s4.s8 v5;
	s28 =	smul.u32 $0xC0, s7;
	p0 =	sne.s32 s7, $0x0  }
0x6: {  	v6 =	vunpack.c.l.s4.s8 v6;
	v7 =	vunpack.c.l.s4.s8 v7;
	s7 =	simm.s32 $0x1;
	_ =	strace $0x80000047;
	s4 =	sand.u32 $0x700, s4;
	v0 =	vunpack.c.0.s8.s32 v0  }
0x7: {  	s8 =	sshll.u32 s5, $0x4;
	s6 =	sand.u32 $0x2, s6;
	s9 =	ssub.s32 $0x2, s5;
	v2 =	vunpack.c.0.s8.s32 v2;
	v3 =	vunpack.c.0.s8.s32 v3;
	v4 =	vunpack.c.0.s8.s32 v4  }
.Ltmp0:
0x8: {  	s4 =	sadd.s32 s4, s3;
	s5 =	sor.u32 s5, s6;
	v5 =	vunpack.c.0.s8.s32 v5;
	v6 =	vunpack.c.0.s8.s32 v6;
	v7 =	vunpack.c.0.s8.s32 v7;
	(pc) =	sbr.rel .LBB2_1-.Ltmp0, $4  }
0x9: {  	s8 =	sadd.s32 s8, s3;
	s29 =	sshrl.u32 s9, $0x1;
	v1 =	vunpack.c.0.s8.s32 v1;
	s5 =	sshll.u32 s5, $0x6;
	v2 =	vcombine.low v3, v2  }
0xa: {  	s31 =	sshrl.u32 s28, $0x2;
	s9 =	ssub.s32 s9, s29;
	s30 =	sadd.s32 s5, s4;
	v3 =	vcombine.low v5, v4;
	v4 =	vcombine.low v7, v6;
	v0 =	vand.u32 $0xF, v0  }
0xb: {  	s4 =	sadd.s32 s31, s0;
	s5 =	sadd.s32 $0x1200, s8;
	s6 =	smax.u32 s9, $0x1;
	v0 =	vcombine.low v0, v1;
	v1 =	vand.u32 $0xF, v2  }
0xc: {  	s8 =	simm.s32 $0x200;
	s9 =	simm.s32 $0x280;
	s3 =	sadd.s32 $0xA00, s30;
	v2 =	vand.u32 $0xF, v3;
	v3 =	vand.u32 $0xF, v4;
	v4 =	vlaneseq.u32  }
.LBB2_3:
0xd: {  	s6 =	sadd.s32 $0xFFFFFFFF, s6  }
0xe: {  	p1 =	sne.s32 s6, $0x0  }
.Ltmp1:
0xf: {  	_ = 	snop;
	(pc) =	sbr.rel @!p1 .LBB2_4-.Ltmp1, $1  }
0x10: {  	_ =	sdelay $0x3  }
.LBB2_1:
0x11: {  	[tilespmem:s1], [sflag:$0x1] =	stream.linear.gather [hbm4b:s3+s1], $0x200, $0x38;
	[tilespmem:$0x630] =	vst v63  }
0x12: {  	_ =	swait.ge [sflag:s7], $0x200  }
0x13: {  	[sflag:s7] =	ssyncset.done $0x0  }
0x14: {  	[sflag:s7] =	ssyncadd.s32 $0xFFFFFE00  }
0x15: {  	v5 =	vld [tilespmem:$0x0]  }
0x16: {  	v6 =	vld [tilespmem:$0x10];
	_ =	sdelay $0x1  }
0x17: {  	v7 =	vld [tilespmem:$0x20];
	_ =	sdelay $0x1  }
0x18: {  	v8 =	vld [tilespmem:$0x30]  }
0x19: {  	v9 =	vadd.f32 v6, v5  }
0x1a: {  	v10 =	vld [tilespmem:$0x40]  }
0x1b: {  	v9 =	vadd.f32 v7, v9  }
0x1c: {  	v11 =	vld [tilespmem:$0x50]  }
0x1d: {  	v9 =	vadd.f32 v8, v9  }
0x1e: {  	v12 =	vld [tilespmem:$0x60]  }
0x1f: {  	v9 =	vadd.f32 v10, v9  }
0x20: {  	v13 =	vld [tilespmem:$0x70]  }
0x21: {  	v9 =	vadd.f32 v11, v9  }
0x22: {  	v14 =	vld [tilespmem:$0x80]  }
0x23: {  	v9 =	vadd.f32 v12, v9  }
0x24: {  	v15 =	vld [tilespmem:$0x90]  }
0x25: {  	v9 =	vadd.f32 v13, v9  }
0x26: {  	v16 =	vld [tilespmem:$0xA0]  }
0x27: {  	v9 =	vadd.f32 v14, v9  }
0x28: {  	v17 =	vld [tilespmem:$0xB0]  }
0x29: {  	v21 =	vmin.f32 v5, v6;
	v5 =	vmax.f32 v5, v6;
	v9 =	vadd.f32 v15, v9  }
0x2a: {  	v18 =	vld [tilespmem:$0xC0];
	v22 =	vmin.f32 v5, v7;
	v5 =	vmax.f32 v5, v7  }
0x2b: {  	v27 =	vmin.f32 v5, v8;
	v5 =	vmax.f32 v5, v8;
	v9 =	vadd.f32 v16, v9  }
0x2c: {  	v19 =	vld [tilespmem:$0xD0];
	v29 =	vmin.f32 v5, v10;
	v5 =	vmax.f32 v5, v10  }
0x2d: {  	v31 =	vmin.f32 v5, v11;
	v5 =	vmax.f32 v5, v11;
	v9 =	vadd.f32 v17, v9  }
0x2e: {  	v20 =	vld [tilespmem:$0xE0];
	v11 =	vmin.f32 v5, v12;
	v5 =	vmax.f32 v5, v12  }
0x2f: {  	v33 =	vmin.f32 v5, v13;
	v5 =	vmax.f32 v5, v13;
	v9 =	vadd.f32 v18, v9  }
0x30: {  	v6 =	vld [tilespmem:$0xF0];
	v13 =	vmin.f32 v5, v14;
	v5 =	vmax.f32 v5, v14  }
0x31: {  	v35 =	vmin.f32 v5, v15;
	v5 =	vmax.f32 v5, v15;
	v7 =	vadd.f32 v19, v9  }
0x32: {  	v28 =	vld [tilespmem:$0x100];
	v37 =	vmin.f32 v5, v16;
	v5 =	vmax.f32 v5, v16  }
0x33: {  	v39 =	vmin.f32 v5, v17;
	v5 =	vmax.f32 v5, v17;
	v7 =	vadd.f32 v20, v7  }
0x34: {  	v30 =	vld [tilespmem:$0x110];
	v40 =	vmin.f32 v5, v18;
	v5 =	vmax.f32 v5, v18  }
0x35: {  	v42 =	vmin.f32 v5, v19;
	v5 =	vmax.f32 v5, v19;
	v7 =	vadd.f32 v6, v7  }
0x36: {  	v32 =	vld [tilespmem:$0x120];
	v26 =	vmax.f32 v21, v22;
	v44 =	vmin.f32 v5, v20;
	v5 =	vmax.f32 v5, v20  }
0x37: {  	v45 =	vmin.f32 v5, v6;
	v5 =	vmax.f32 v5, v6;
	v7 =	vadd.f32 v28, v7  }
0x38: {  	v34 =	vld [tilespmem:$0x130];
	v46 =	vmin.f32 v5, v28;
	v9 =	vmax.f32 v26, v27  }
0x39: {  	v5 =	vmax.f32 v5, v28;
	v9 =	vmax.f32 v9, v29;
	v7 =	vadd.f32 v30, v7  }
0x3a: {  	v36 =	vld [tilespmem:$0x140];
	v48 =	vmin.f32 v5, v30;
	v9 =	vmax.f32 v9, v31  }
0x3b: {  	v5 =	vmax.f32 v5, v30;
	v9 =	vmax.f32 v9, v11;
	v7 =	vadd.f32 v32, v7  }
0x3c: {  	v38 =	vld [tilespmem:$0x150];
	v10 =	vmin.f32 v5, v32;
	v9 =	vmax.f32 v9, v33  }
0x3d: {  	v5 =	vmax.f32 v5, v32;
	v9 =	vmax.f32 v9, v13;
	v7 =	vadd.f32 v34, v7  }
0x3e: {  	v41 =	vld [tilespmem:$0x160];
	v50 =	vmin.f32 v5, v34;
	v9 =	vmax.f32 v9, v35  }
0x3f: {  	v5 =	vmax.f32 v5, v34;
	v9 =	vmax.f32 v9, v37;
	v7 =	vadd.f32 v36, v7  }
0x40: {  	v43 =	vld [tilespmem:$0x170];
	v11 =	vmin.f32 v5, v36;
	v9 =	vmax.f32 v9, v39  }
0x41: {  	v5 =	vmax.f32 v5, v36;
	v9 =	vmax.f32 v9, v40;
	v7 =	vadd.f32 v38, v7  }
0x42: {  	v6 =	vld [tilespmem:$0x180];
	v52 =	vmin.f32 v5, v38;
	v9 =	vmax.f32 v9, v42  }
0x43: {  	v5 =	vmax.f32 v5, v38;
	v9 =	vmax.f32 v9, v44;
	v7 =	vadd.f32 v41, v7  }
0x44: {  	v47 =	vld [tilespmem:$0x190];
	v54 =	vmin.f32 v5, v41;
	v9 =	vmax.f32 v9, v45  }
0x45: {  	v5 =	vmax.f32 v5, v41;
	v9 =	vmax.f32 v9, v46;
	v7 =	vadd.f32 v43, v7  }
0x46: {  	v49 =	vld [tilespmem:$0x1A0];
	v56 =	vmin.f32 v5, v43;
	v9 =	vmax.f32 v9, v48  }
0x47: {  	v5 =	vmax.f32 v5, v43;
	v9 =	vmax.f32 v9, v10;
	v7 =	vadd.f32 v6, v7  }
0x48: {  	v51 =	vld [tilespmem:$0x1B0];
	v57 =	vmin.f32 v5, v6;
	v9 =	vmax.f32 v9, v50  }
0x49: {  	v5 =	vmax.f32 v5, v6;
	v9 =	vmax.f32 v9, v11;
	v7 =	vadd.f32 v47, v7  }
0x4a: {  	v53 =	vld [tilespmem:$0x1C0];
	v58 =	vmin.f32 v5, v47;
	v9 =	vmax.f32 v9, v52  }
0x4b: {  	v5 =	vmax.f32 v5, v47;
	v9 =	vmax.f32 v9, v54;
	v7 =	vadd.f32 v49, v7  }
0x4c: {  	v55 =	vld [tilespmem:$0x1D0];
	v60 =	vmin.f32 v5, v49;
	v9 =	vmax.f32 v9, v56  }
0x4d: {  	v5 =	vmax.f32 v5, v49;
	v9 =	vmax.f32 v9, v57;
	v7 =	vadd.f32 v51, v7  }
0x4e: {  	v12 =	vmin.f32 v5, v51;
	v6 =	vld [tilespmem:$0x1E0];
	v9 =	vmax.f32 v9, v58  }
0x4f: {  	v59 =	vld [tilespmem:$0x1F0];
	v5 =	vmax.f32 v5, v51;
	v9 =	vmax.f32 v9, v60;
	v7 =	vadd.f32 v53, v7  }
0x50: {  	v10 =	vmin.f32 v5, v53;
	v5 =	vmax.f32 v5, v53;
	v9 =	vmax.f32 v9, v12  }
0x51: {  	v61 =	vmin.f32 v5, v55;
	v9 =	vmax.f32 v9, v10;
	v7 =	vadd.f32 v55, v7  }
0x52: {  	v5 =	vmax.f32 v5, v55;
	v9 =	vmax.f32 v9, v61  }
0x53: {  	v62 =	vmin.f32 v5, v6;
	v5 =	vmax.f32 v5, v6;
	v7 =	vadd.f32 v6, v7  }
0x54: {  	v63 =	vmin.f32 v5, v59;
	v5 =	vmax.f32 v5, v59;
	v6 =	vmax.f32 v9, v62  }
0x55: {  	[tilespmem:$0x210] =	vst v5;
	v6 =	vmax.f32 v6, v63;
	v7 =	vadd.f32 v59, v7  }
0x56: {  	[tilespmem:$0x220] =	vst v6  }
0x57: {  	[tilespmem:$0x200] =	vst v7  }
0x58: {  	[spmem:s4] =	stream.linear.scatter [tilespmem:s8], [sflag:$0x1], $0x30, $0x38;
	[tilespmem:$0x630] =	vst v63  }
.Ltmp2:
0x59: {  	_ =	swait.ge [sflag:s7], $0x30;
	(pc) =	sbr.rel @p0 .LBB2_3-.Ltmp2, $3  }
0x5a: {  	[sflag:s7] =	ssyncset.done $0x0  }
0x5b: {  	[sflag:s7] =	ssyncadd.s32 $0xFFFFFFD0  }
0x5c: {  	[bflag:$0x0] =	sbarrier.arrive $0xFFFF;
	_ =	sdelay $0x1  }
0x5d: {  	[tilespmem:s9], [sflag:$0x1] =	stream.linear.gather [spmem:s0], $0x300, $0x38;
	[tilespmem:$0x630] =	vst v63  }
0x5e: {  	_ =	swait.ge [sflag:s7], $0x300  }
0x5f: {  	[sflag:s7] =	ssyncset.done $0x0  }
0x60: {  	[sflag:s7] =	ssyncadd.s32 $0xFFFFFD00  }
0x61: {  	v5 =	vld [tilespmem:$0x280]  }
0x62: {  	v6 =	vld [tilespmem:$0x290]  }
0x63: {  	v7 =	vld [tilespmem:$0x2A0]  }
0x64: {  	v8 =	vld [tilespmem:$0x2B0]  }
0x65: {  	v9 =	vld [tilespmem:$0x2C0]  }
0x66: {  	v10 =	vld [tilespmem:$0x2D0]  }
0x67: {  	v11 =	vld [tilespmem:$0x2E0]  }
0x68: {  	v12 =	vld [tilespmem:$0x2F0]  }
0x69: {  	v13 =	vld [tilespmem:$0x300]  }
0x6a: {  	v14 =	vld [tilespmem:$0x310]  }
0x6b: {  	v15 =	vld [tilespmem:$0x320]  }
0x6c: {  	v16 =	vld [tilespmem:$0x330]  }
0x6d: {  	v17 =	vld [tilespmem:$0x340]  }
0x6e: {  	v19 =	vld [tilespmem:$0x350];
	v18 =	vmax.f32 v6, v9  }
0x6f: {  	v21 =	vld [tilespmem:$0x360];
	v20 =	vmax.f32 v18, v10  }
0x70: {  	v23 =	vld [tilespmem:$0x370];
	v22 =	vmax.f32 v20, v12  }
0x71: {  	v25 =	vld [tilespmem:$0x380];
	v24 =	vmax.f32 v22, v13  }
0x72: {  	v27 =	vld [tilespmem:$0x390];
	v26 =	vmax.f32 v24, v15  }
0x73: {  	v29 =	vld [tilespmem:$0x3B0];
	v28 =	vmax.f32 v26, v16  }
0x74: {  	v31 =	vld [tilespmem:$0x3C0];
	v30 =	vmax.f32 v28, v19  }
0x75: {  	v33 =	vld [tilespmem:$0x3E0];
	v32 =	vmax.f32 v30, v21  }
0x76: {  	v35 =	vld [tilespmem:$0x3F0];
	v34 =	vmax.f32 v32, v25  }
0x77: {  	v37 =	vld [tilespmem:$0x410];
	v36 =	vmax.f32 v34, v27  }
0x78: {  	v39 =	vld [tilespmem:$0x420];
	v38 =	vmax.f32 v36, v29  }
0x79: {  	v41 =	vld [tilespmem:$0x440];
	v40 =	vmax.f32 v38, v31  }
0x7a: {  	v43 =	vld [tilespmem:$0x450];
	v42 =	vmax.f32 v40, v33  }
0x7b: {  	v45 =	vld [tilespmem:$0x470];
	v44 =	vmax.f32 v42, v35  }
0x7c: {  	v47 =	vld [tilespmem:$0x480];
	v46 =	vmax.f32 v44, v37  }
0x7d: {  	v49 =	vld [tilespmem:$0x4A0];
	v48 =	vmax.f32 v46, v39  }
0x7e: {  	v51 =	vld [tilespmem:$0x4B0];
	v50 =	vmax.f32 v48, v41  }
0x7f: {  	v5 =	vadd.f32 v8, v5;
	v6 =	vmin.f32 v6, v9;
	v9 =	vld [tilespmem:$0x4D0];
	v8 =	vmax.f32 v50, v43  }
0x80: {  	v6 =	vmax.f32 v7, v6;
	v7 =	vmin.f32 v18, v10;
	v18 =	vld [tilespmem:$0x4E0];
	v10 =	vmax.f32 v8, v45  }
0x81: {  	v52 =	vld [tilespmem:$0x500];
	v6 =	vmax.f32 v6, v7;
	v7 =	vmax.f32 v10, v47  }
0x82: {  	v5 =	vadd.f32 v11, v5;
	v57 =	vmin.f32 v20, v12;
	v20 =	vld [tilespmem:$0x510];
	v12 =	vmax.f32 v7, v49  }
0x83: {  	v6 =	vmax.f32 v6, v57;
	v58 =	vmin.f32 v22, v13;
	v22 =	vld [tilespmem:$0x530];
	v13 =	vmax.f32 v12, v51  }
0x84: {  	v53 =	vld [tilespmem:$0x540];
	v6 =	vmax.f32 v6, v58;
	v11 =	vmax.f32 v13, v9  }
0x85: {  	v5 =	vadd.f32 v14, v5;
	v59 =	vmin.f32 v24, v15;
	v24 =	vld [tilespmem:$0x560];
	v15 =	vmax.f32 v11, v18  }
0x86: {  	v6 =	vmax.f32 v6, v59;
	v60 =	vmin.f32 v26, v16;
	v26 =	vld [tilespmem:$0x570];
	v16 =	vmax.f32 v15, v52  }
0x87: {  	v6 =	vmax.f32 v6, v60;
	v14 =	vmax.f32 v16, v20  }
0x88: {  	v5 =	vadd.f32 v17, v5;
	v61 =	vmin.f32 v28, v19;
	v19 =	vmax.f32 v14, v22  }
0x89: {  	v63 =	vld [tilespmem:$0x3A0];
	v6 =	vmax.f32 v6, v61;
	v62 =	vmin.f32 v30, v21;
	v28 =	vmax.f32 v19, v53  }
0x8a: {  	v6 =	vmax.f32 v6, v62;
	v17 =	vmax.f32 v28, v24  }
0x8b: {  	v5 =	vadd.f32 v23, v5;
	v54 =	vmin.f32 v32, v25;
	v25 =	vmax.f32 v17, v26  }
0x8c: {  	v56 =	vld [tilespmem:$0x3D0];
	v6 =	vmax.f32 v6, v54;
	v55 =	vmin.f32 v34, v27;
	v57 =	vperm.xlane v25, v0  }
0x8d: {  	v6 =	vmax.f32 v6, v55  }
0x8e: {  	v5 =	vadd.f32 v63, v5;
	v58 =	vmin.f32 v36, v29;
	v60 =	vmax.f32 v25, v57  }
0x8f: {  	v59 =	vld [tilespmem:$0x400];
	v6 =	vmax.f32 v6, v58;
	v61 =	vmin.f32 v38, v31;
	v30 =	vperm.xlane v60, v1  }
0x90: {  	v6 =	vmax.f32 v6, v61  }
0x91: {  	v5 =	vadd.f32 v56, v5;
	v62 =	vmin.f32 v40, v33;
	v63 =	vmax.f32 v60, v30  }
0x92: {  	v33 =	vld [tilespmem:$0x430];
	v6 =	vmax.f32 v6, v62;
	v34 =	vmin.f32 v42, v35;
	v30 =	vperm.xlane v63, v2  }
0x93: {  	v6 =	vmax.f32 v6, v34  }
0x94: {  	v5 =	vadd.f32 v59, v5;
	v35 =	vmin.f32 v44, v37;
	v27 =	vmax.f32 v63, v30  }
0x95: {  	v6 =	vmax.f32 v6, v35;
	v37 =	vmin.f32 v46, v39;
	v30 =	vperm.xlane v27, v3  }
0x96: {  	v36 =	vld [tilespmem:$0x460];
	v6 =	vmax.f32 v6, v37  }
0x97: {  	v38 =	vmin.f32 v48, v41;
	v5 =	vadd.f32 v33, v5;
	v41 =	vmax.f32 v27, v30  }
0x98: {  	v40 =	vld [tilespmem:$0x490];
	v6 =	vmax.f32 v6, v38;
	v39 =	vmin.f32 v50, v43;
	vm0 =	veq.f32 v25, v41  }
0x99: {  	v6 =	vmax.f32 v6, v39;
	v8 =	vmin.f32 v8, v45;
	v44 =	vnsel vm0, $0x10, v4  }
0x9a: {  	v42 =	vld [tilespmem:$0x4C0];
	v6 =	vmax.f32 v6, v8;
	v43 =	vmin.f32 v10, v47;
	v45 =	vperm.xlane v44, v0  }
0x9b: {  	v5 =	vadd.f32 v36, v5;
	v6 =	vmax.f32 v6, v43;
	v7 =	vmin.f32 v7, v49  }
0x9c: {  	v46 =	vld [tilespmem:$0x4F0];
	v6 =	vmax.f32 v6, v7;
	v7 =	vmin.f32 v12, v51;
	vm0 =	vlt.s32 v44, v45  }
0x9d: {  	v5 =	vadd.f32 v40, v5;
	v6 =	vmax.f32 v6, v7;
	v7 =	vsel vm0, v44, v45  }
0x9e: {  	v48 =	vld [tilespmem:$0x520];
	v10 =	vperm.xlane v7, v1  }
0x9f: {  	v5 =	vadd.f32 v42, v5  }
0xa0: {  	v50 =	vld [tilespmem:$0x550];
	vm0 =	vlt.s32 v7, v10  }
0xa1: {  	v47 =	vmin.f32 v13, v9;
	v5 =	vadd.f32 v46, v5;
	v7 =	vsel vm0, v7, v10  }
0xa2: {  	v6 =	vmax.f32 v6, v47;
	v49 =	vmin.f32 v11, v18;
	v54 =	vperm.xlane v7, v2  }
0xa3: {  	v6 =	vmax.f32 v6, v49;
	v51 =	vmin.f32 v15, v52;
	v5 =	vadd.f32 v48, v5  }
0xa4: {  	v6 =	vmax.f32 v6, v51;
	vm0 =	vlt.s32 v7, v54  }
0xa5: {  	v52 =	vmin.f32 v16, v20;
	v5 =	vadd.f32 v50, v5;
	v7 =	vsel vm0, v7, v54  }
0xa6: {  	v6 =	vmax.f32 v6, v52;
	v55 =	vmin.f32 v14, v22;
	v58 =	vperm.xlane v7, v3  }
0xa7: {  	v6 =	vmax.f32 v6, v55;
	v56 =	vmin.f32 v19, v53;
	v57 =	vperm.xlane v5, v0  }
0xa8: {  	v6 =	vmax.f32 v6, v56;
	vm0 =	vlt.s32 v7, v58  }
0xa9: {  	v59 =	vmin.f32 v28, v24;
	v5 =	vadd.f32 v57, v5;
	v7 =	vsel vm0, v7, v58  }
0xaa: {  	v6 =	vmax.f32 v6, v59;
	v60 =	vmin.f32 v17, v26;
	vm0 =	veq.s32 v7, v4  }
0xab: {  	v9 =	vperm.xlane v5, v1;
	v6 =	vmax.f32 v6, v60;
	v7 =	vsel vm0, $0xFF800000, v25  }
0xac: {  	v62 =	vperm.xlane v6, v0;
	v61 =	vperm.xlane v7, v0;
	_ =	sdelay $0x1  }
0xad: {  	v5 =	vadd.f32 v9, v5;
	v6 =	vmax.f32 v6, v62;
	v7 =	vmax.f32 v7, v61  }
0xae: {  	v9 =	vperm.xlane v6, v1;
	v8 =	vperm.xlane v7, v1  }
0xaf: {  	v63 =	vperm.xlane v5, v2  }
0xb0: {  	v6 =	vmax.f32 v6, v9;
	v7 =	vmax.f32 v7, v8  }
0xb1: {  	v5 =	vadd.f32 v63, v5;
	v9 =	vperm.xlane v6, v2;
	v8 =	vperm.xlane v7, v2;
	_ =	sdelay $0x1  }
0xb2: {  	v6 =	vmax.f32 v6, v9;
	v10 =	vperm.xlane v5, v3;
	v7 =	vmax.f32 v7, v8  }
0xb3: {  	v9 =	vperm.xlane v6, v3;
	v8 =	vperm.xlane v7, v3  }
0xb4: {  	v5 =	vadd.f32 v10, v5  }
0xb5: {  	[tilespmem:$0x590] =	vst v41;
	v6 =	vmax.f32 v6, v9;
	v7 =	vmax.f32 v7, v8  }
0xb6: {  	[tilespmem:$0x580] =	vst v5;
	v5 =	vmax.f32 v6, v7  }
.Ltmp3:
0xb7: {  	[tilespmem:$0x5A0] =	vst v5;
	(pc) =	sbr.rel .LBB2_3-.Ltmp3, $4  }
0xb8: {  	[hbm4b:s5+s1] =	stream.linear.scatter [tilespmem:s10], [sflag:$0x1], $0x80, $0x38;
	[tilespmem:$0x630] =	vst v63  }
0xb9: {  	_ =	swait.ge [sflag:s7], $0x80  }
0xba: {  	[sflag:s7] =	ssyncset.done $0x0  }
0xbb: {  	[sflag:s7] =	ssyncadd.s32 $0xFFFFFF80  }
.LBB2_4:
0xbc: {  	_ =	sfence.sel $0x180000  }
0xbd: {  	[bflag:$0x0] =	sbarrier.arrive $0xFFFF  }
0xbe: {  	_ =	strace $0x90000047  }
0xbf: {  	s0 =	sadd.s32 @!p0 $0x100000, s2;
	[bflag:$0x2] =	sbarrier.arrive $0xFFFF  }
0xc0: {  	[sflag:s0] =	ssyncadd.tile.s32 @!p0 $0x1;
	_ =	shalt  }
.Lfunc_end2:
_tile_overlayer_lowered:
.L_overlay_start_2:
0xc1: {  	(tag) =	ssettag $0x2  }
0xc2: {  	s0 =	rddreg [dreg:$0x0];
	s2 =	stileid.u32  }
0xc3: {  	s1 =	rddreg [dreg:$0x1];
	p0 =	sne.s32 s2, $0x0  }
0xc4: {  	s3 =	rddreg [dreg:$0x2];
	[bflag:$0x3] =	sbarrier.arrive $0xFFFF;
	s2 =	simm.s32 @!p0 $0x1C01  }
0xc5: {  	[timem:s3], [sflag:s2] =	dma.local @!p0 [hbm:s0], s1  }
0xc6: {  	s0 =	simm.s32 @!p0 $0x1  }
0xc7: {  	_ =	swait.ge @!p0 [sflag:s0], s1  }
0xc8: {  	s1 =	ssub.s32 @!p0 $0x0, s1;
	[sflag:s0] =	ssyncset.done @!p0 $0x0  }
0xc9: {  	[sflag:s0] =	ssyncadd.s32 @!p0 s1  }
0xca: {  	[bflag:$0x3] =	sbarrier.arrive $0xFFFF  }
0xcb: {  	_ =	shalt  }

</sc_bundles>
